<compile_context>
chip_gen: v7x
topology: tpu7x:2x2x1
jax: 0.10.2.dev20260603
libtpu: 0.0.44.dev20260713+nightly
codegen_flags: <defaults>
</compile_context>

<pallas_src>
import functools

import jax
import jax.numpy as jnp
from jax.experimental import pallas as pl
from jax.experimental.pallas import tpu as pltpu

F32 = jnp.float32
BF16 = jnp.bfloat16
RB = 8192


def _dot(a, b):
    return jnp.dot(a.astype(BF16), b.astype(BF16), preferred_element_type=F32)


def _st(acc, count, g, be):
    m = acc[0] / count
    v = acc[1] / count - m * m
    s = g / jnp.sqrt(v + 1e-5)
    t = be - m * s
    return s[None, :].astype(F32), t[None, :].astype(F32)


def _mm_body(x_ref, s_ref, t_ref, w_ref, b_ref, y_ref, acc_ref, *, pre):
    x = x_ref[...]
    x2 = x.reshape(-1, x.shape[-1])
    if pre:
        x2 = jnp.maximum(x2 * s_ref[...] + t_ref[...], 0.0)
    y2 = _dot(x2, w_ref[...]) + b_ref[...]
    y_ref[...] = y2.reshape(y_ref.shape).astype(y_ref.dtype)

    @pl.when(pl.program_id(0) == 0)
    def _():
        acc_ref[...] = jnp.zeros_like(acc_ref)

    acc_ref[...] += jnp.concatenate(
        [jnp.sum(y2, 0, keepdims=True), jnp.sum(y2 * y2, 0, keepdims=True)], 0)


def _mm_pass(x, s, t, W, b, K, pre=True, out_dtype=BF16):
    cin, cout = W.shape
    BN = x.shape[0]
    nb = RB // (K or 1)
    grid = BN // nb
    if K is None:
        xspec = pl.BlockSpec((nb, cin), lambda i: (i, 0))
        yshape = (BN, cout)
        yspec = pl.BlockSpec((nb, cout), lambda i: (i, 0))
    else:
        xspec = pl.BlockSpec((nb, K, cin), lambda i: (i, 0, 0))
        yshape = (BN, K, cout)
        yspec = pl.BlockSpec((nb, K, cout), lambda i: (i, 0, 0))
    vec_in = lambda c: pl.BlockSpec((1, c), lambda i: (0, 0))
    y, acc = pl.pallas_call(
        functools.partial(_mm_body, pre=pre),
        grid=(grid,),
        in_specs=[xspec, vec_in(cin), vec_in(cin),
                  pl.BlockSpec((cin, cout), lambda i: (0, 0)), vec_in(cout)],
        out_specs=[yspec, pl.BlockSpec((2, cout), lambda i: (0, 0))],
        out_shape=[jax.ShapeDtypeStruct(yshape, out_dtype),
                   jax.ShapeDtypeStruct((2, cout), F32)],
    )(x, s, t, W, b)
    return y, acc


def _feat_body(g_ref, wxyz_ref, cmain_ref, cenc_ref,
               wm_ref, wem_ref, we_ref, wee_ref,
               ymain_ref, yenc_ref, accm_ref, acce_ref):
    nb, K, _ = g_ref.shape
    g = g_ref[...]
    gx = g[:, :, 0:3]
    wx = wxyz_ref[...]
    diff = gx - wx[:, None, :]
    euc = jnp.sqrt(jnp.sum(diff * diff, -1, keepdims=True) + 1e-20)
    g2 = g.reshape(nb * K, 128)
    eu2 = euc.reshape(nb * K, 1)
    ym2 = _dot(g2, wm_ref[...]) + eu2 * wem_ref[...]
    ye2 = _dot(g2, we_ref[...]) + eu2 * wee_ref[...]
    ym = ym2.reshape(nb, K, -1) + cmain_ref[...][:, None, :]
    ye = ye2.reshape(nb, K, -1) + cenc_ref[...][:, None, :]
    ymain_ref[...] = ym.astype(ymain_ref.dtype)
    yenc_ref[...] = ye.astype(yenc_ref.dtype)

    @pl.when(pl.program_id(0) == 0)
    def _():
        accm_ref[...] = jnp.zeros_like(accm_ref)
        acce_ref[...] = jnp.zeros_like(acce_ref)

    ym2f = ym.reshape(nb * K, -1)
    ye2f = ye.reshape(nb * K, -1)
    accm_ref[...] += jnp.concatenate(
        [jnp.sum(ym2f, 0, keepdims=True), jnp.sum(ym2f * ym2f, 0, keepdims=True)], 0)
    acce_ref[...] += jnp.concatenate(
        [jnp.sum(ye2f, 0, keepdims=True), jnp.sum(ye2f * ye2f, 0, keepdims=True)], 0)


def _feat_pass(g, wxyz, cmain, cenc, Wm, Wem, We, Wee, K):
    BN = g.shape[0]
    cm = Wm.shape[1]
    ce = We.shape[1]
    nb = RB // K
    grid = BN // nb
    b3 = lambda c: pl.BlockSpec((nb, K, c), lambda i: (i, 0, 0))
    b2 = lambda c: pl.BlockSpec((nb, c), lambda i: (i, 0))
    wfull = lambda a, b_: pl.BlockSpec((a, b_), lambda i: (0, 0))
    return pl.pallas_call(
        _feat_body,
        grid=(grid,),
        in_specs=[b3(128), b2(3), b2(cm), b2(ce),
                  wfull(128, cm), wfull(1, cm),
                  wfull(128, ce), wfull(1, ce)],
        out_specs=[b3(cm), b3(ce),
                   pl.BlockSpec((2, cm), lambda i: (0, 0)),
                   pl.BlockSpec((2, ce), lambda i: (0, 0))],
        out_shape=[jax.ShapeDtypeStruct((BN, K, cm), BF16),
                   jax.ShapeDtypeStruct((BN, K, ce), BF16),
                   jax.ShapeDtypeStruct((2, cm), F32),
                   jax.ShapeDtypeStruct((2, ce), F32)],
    )(g, wxyz, cmain, cenc, Wm, Wem, We, Wee)


def _comb2_body(ya_ref, sa_ref, ta_ref, yb_ref, sb_ref, tb_ref,
                wa_ref, wb_ref, b_ref, y_ref, feat_ref, acc_ref):
    nb, K, _ = ya_ref.shape
    xa = jnp.maximum(ya_ref[...] * sa_ref[...] + ta_ref[...], 0.0)
    xb = jnp.maximum(yb_ref[...] * sb_ref[...] + tb_ref[...], 0.0)
    feat_ref[...] = xb.astype(feat_ref.dtype)
    xa2 = xa.reshape(nb * K, -1)
    xb2 = xb.reshape(nb * K, -1)
    y2 = _dot(xa2, wa_ref[...]) + _dot(xb2, wb_ref[...]) + b_ref[...]
    y_ref[...] = y2.reshape(y_ref.shape).astype(y_ref.dtype)

    @pl.when(pl.program_id(0) == 0)
    def _():
        acc_ref[...] = jnp.zeros_like(acc_ref)

    acc_ref[...] += jnp.concatenate(
        [jnp.sum(y2, 0, keepdims=True), jnp.sum(y2 * y2, 0, keepdims=True)], 0)


def _comb2_pass(ya, sa, ta, yb, sb, tb, Wa, Wb, b, K):
    BN = ya.shape[0]
    ca, cout = Wa.shape
    cb = Wb.shape[0]
    nb = RB // K
    grid = BN // nb
    b3 = lambda c: pl.BlockSpec((nb, K, c), lambda i: (i, 0, 0))
    v = lambda c: pl.BlockSpec((1, c), lambda i: (0, 0))
    w = lambda a, b_: pl.BlockSpec((a, b_), lambda i: (0, 0))
    return pl.pallas_call(
        _comb2_body,
        grid=(grid,),
        in_specs=[b3(ca), v(ca), v(ca), b3(cb), v(cb), v(cb),
                  w(ca, cout), w(cb, cout), v(cout)],
        out_specs=[b3(cout), b3(cb), pl.BlockSpec((2, cout), lambda i: (0, 0))],
        out_shape=[jax.ShapeDtypeStruct((BN, K, cout), BF16),
                   jax.ShapeDtypeStruct((BN, K, cb), BF16),
                   jax.ShapeDtypeStruct((2, cout), F32)],
    )(ya, sa, ta, yb, sb, tb, Wa, Wb, b)


def _addres_body(ya_ref, sa_ref, ta_ref, res_ref, wa_ref, y_ref, acc_ref):
    nb, K, _ = ya_ref.shape
    xa = jnp.maximum(ya_ref[...] * sa_ref[...] + ta_ref[...], 0.0)
    xa2 = xa.reshape(nb * K, -1)
    y2 = (_dot(xa2, wa_ref[...])
          + res_ref[...].reshape(nb * K, -1).astype(F32))
    y_ref[...] = y2.reshape(y_ref.shape).astype(y_ref.dtype)

    @pl.when(pl.program_id(0) == 0)
    def _():
        acc_ref[...] = jnp.zeros_like(acc_ref)

    acc_ref[...] += jnp.concatenate(
        [jnp.sum(y2, 0, keepdims=True), jnp.sum(y2 * y2, 0, keepdims=True)], 0)


def _addres_pass(ya, sa, ta, res, Wa, K):
    BN = ya.shape[0]
    ca, cout = Wa.shape
    nb = RB // K
    grid = BN // nb
    b3 = lambda c: pl.BlockSpec((nb, K, c), lambda i: (i, 0, 0))
    v = lambda c: pl.BlockSpec((1, c), lambda i: (0, 0))
    return pl.pallas_call(
        _addres_body,
        grid=(grid,),
        in_specs=[b3(ca), v(ca), v(ca), b3(cout),
                  pl.BlockSpec((ca, cout), lambda i: (0, 0))],
        out_specs=[b3(cout), pl.BlockSpec((2, cout), lambda i: (0, 0))],
        out_shape=[jax.ShapeDtypeStruct((BN, K, cout), BF16),
                   jax.ShapeDtypeStruct((2, cout), F32)],
    )(ya, sa, ta, res, Wa)


def _smr_body(y_ref, s_ref, t_ref, v_ref, o_ref, *, vlo):
    c = y_ref.shape[-1]
    x = jnp.maximum(y_ref[...] * s_ref[...] + t_ref[...], 0.0)
    m = jnp.max(x, axis=1, keepdims=True)
    e = jnp.exp(x - m)
    w = e / jnp.sum(e, axis=1, keepdims=True)
    o_ref[...] = jnp.sum(w * v_ref[...][:, :, vlo:vlo + c], axis=1)


def _smr_pass(y, s, t, vals, K, vlo=0):
    BN, _, c = y.shape
    cv = vals.shape[-1]
    nb = RB // K
    grid = BN // nb
    b3 = lambda cc: pl.BlockSpec((nb, K, cc), lambda i: (i, 0, 0))
    v = lambda cc: pl.BlockSpec((1, cc), lambda i: (0, 0))
    return pl.pallas_call(
        functools.partial(_smr_body, vlo=vlo),
        grid=(grid,),
        in_specs=[b3(c), v(c), v(c), b3(cv)],
        out_specs=pl.BlockSpec((nb, c), lambda i: (i, 0)),
        out_shape=jax.ShapeDtypeStruct((BN, c), F32),
    )(y, s, t, vals)


QB = 1024

_INF = 3.0e38


def _knn_body(q_ref, kt_ref, out_ref, d_ref, *, k, n):
    q = q_ref[0]
    kt = kt_ref[0]
    qb = q.astype(jnp.bfloat16).astype(F32)
    ktb = kt.astype(jnp.bfloat16).astype(F32)
    dot = (qb[:, 0:1] * ktb[0:1, :] + qb[:, 1:2] * ktb[1:2, :]
           + qb[:, 2:3] * ktb[2:3, :])
    q2 = jnp.sum(q * q, axis=1, keepdims=True)
    k2 = jnp.sum(kt * kt, axis=0, keepdims=True)
    d_ref[...] = (-2.0 * dot + q2) + k2
    iota_n = jax.lax.broadcasted_iota(jnp.int32, (QB, n), 1)
    iota_k = jax.lax.broadcasted_iota(jnp.int32, (QB, k), 1)

    def body(j, acc):
        dc = d_ref[...]
        m = jnp.min(dc, axis=1, keepdims=True)
        am = jnp.min(jnp.where(dc <= m, iota_n, n), axis=1, keepdims=True)
        d_ref[...] = jnp.where(iota_n == am, _INF, dc)
        return jnp.where(iota_k == j, am, acc)

    out_ref[0] = jax.lax.fori_loop(0, k, body, jnp.zeros((QB, k), jnp.int32))


def _knn(keys, queries, k):
    B, N, _ = keys.shape
    kt = keys.transpose(0, 2, 1)
    return pl.pallas_call(
        functools.partial(_knn_body, k=k, n=N),
        grid=(B, N // QB),
        in_specs=[pl.BlockSpec((1, QB, 3), lambda b, i: (b, i, 0)),
                  pl.BlockSpec((1, 3, N), lambda b, i: (b, 0, 0))],
        out_specs=pl.BlockSpec((1, QB, k), lambda b, i: (b, i, 0)),
        out_shape=jax.ShapeDtypeStruct((B, N, k), jnp.int32),
        scratch_shapes=[pltpu.VMEM((QB, N), F32)],
    )(queries, kt)


_CH = 128


def _sc_gather(table, idx_flat):
    from jax.experimental.pallas import tpu_sc as plsc

    M = idx_flat.shape[0]
    NW = 32
    per_w = M // NW
    nch = per_w // _CH
    idx2d = idx_flat.reshape(M // _CH, _CH)
    mesh = plsc.VectorSubcoreMesh(core_axis_name="c", subcore_axis_name="s")

    @functools.partial(
        pl.kernel, mesh=mesh,
        out_type=jax.ShapeDtypeStruct((M, 128), F32),
        scratch_types=[pltpu.VMEM((nch, _CH), jnp.int32),
                       pltpu.VMEM((_CH, 128), F32),
                       pltpu.VMEM((_CH, 128), F32),
                       pltpu.SemaphoreType.DMA,
                       pltpu.SemaphoreType.DMA],
    )
    def k(tab_hbm, idx_hbm, out_hbm, idx_v, buf0, buf1, sem0, sem1):
        wid = jax.lax.axis_index("s") * 2 + jax.lax.axis_index("c")
        base = wid * per_w
        pltpu.sync_copy(idx_hbm.at[pl.ds(wid * nch, nch)], idx_v)
        pltpu.async_copy(tab_hbm.at[idx_v.at[0]], buf0, sem0)

        def body(i, carry):
            j0 = 2 * i
            pltpu.async_copy(tab_hbm.at[idx_v.at[j0 + 1]], buf1, sem1)
            pltpu.make_async_copy(tab_hbm.at[idx_v.at[j0]], buf0, sem0).wait()
            pltpu.sync_copy(buf0, out_hbm.at[pl.ds(base + j0 * _CH, _CH)])

            @pl.when(i + 1 < nch // 2)
            def _():
                pltpu.async_copy(tab_hbm.at[idx_v.at[j0 + 2]], buf0, sem0)

            pltpu.make_async_copy(tab_hbm.at[idx_v.at[j0 + 1]], buf1, sem1).wait()
            pltpu.sync_copy(buf1, out_hbm.at[pl.ds(base + (j0 + 1) * _CH, _CH)])
            return carry

        jax.lax.fori_loop(0, nch // 2, body, 0)

    return k(table, idx2d)


def kernel(warped_xyz, warped_points, f2_xyz, f2_points, params):
    B, N, C = warped_points.shape
    BN = B * N
    Kq, Ks = 32, 16
    M1 = float(BN * Kq)
    M2 = float(BN * Ks)

    (W1, b1, g1, be1), (W2, b2, g2, be2), (W3, b3, g3, be3) = params['mlp1']
    We, be_, ge, bee = params['pi_enc']
    (W4, b4, g4, be4), (W5, b5, g5, be5) = params['mlp2']
    We2, be2_, ge2, bee2 = params['pc_enc']
    (W8, b8, g8, be8), (W9, b9, g9, be9) = params['mlp2_2']

    A_wx, A_gx, A_df = W1[:, 0:3], W1[:, 3:6], W1[:, 6:9]
    A_eu, A_wp, A_gp = W1[:, 9:10], W1[:, 10:10 + C], W1[:, 10 + C:10 + 2 * C]
    E_wx, E_gx, E_df, E_eu = We[:, 0:3], We[:, 3:6], We[:, 6:9], We[:, 9:10]
    E2_wx, E2_gx, E2_df, E2_eu = We2[:, 0:3], We2[:, 3:6], We2[:, 6:9], We2[:, 9:10]
    W8a, W8m, W8g = W8[:, 0:C], W8[:, C:2 * C], W8[:, 2 * C:3 * C]

    zc3 = jnp.zeros((3, 128), F32)
    z64_3 = jnp.zeros((C, 64), F32)
    Wc = jnp.concatenate([
        jnp.concatenate([(A_wx - A_df).T, A_wp.T], 0),
        jnp.concatenate([(E_wx - E_df).T, z64_3], 0),
        jnp.concatenate([(E2_wx - E2_df).T, z64_3], 0),
        jnp.concatenate([zc3, W8m.T], 0),
    ], 1)
    bc = jnp.concatenate([b1, be_, be2_, b8])[None, :]
    cw = jnp.concatenate([warped_xyz, warped_points], -1).reshape(BN, 3 + C)
    one67 = jnp.ones((1, 3 + C), F32)
    zero67 = jnp.zeros((1, 3 + C), F32)
    c_all, _ = _mm_pass(cw, one67, zero67, Wc, bc, None, pre=False, out_dtype=F32)
    c1, c1e = c_all[:, 0:128], c_all[:, 128:192]
    c7e, c7a = c_all[:, 192:256], c_all[:, 256:384]

    off = (jnp.arange(B, dtype=jnp.int32) * N)[:, None, None]
    pad13 = jnp.zeros((B, N, 13), F32)
    pad48 = jnp.zeros((B, N, 48), F32)
    idx1 = _knn(f2_xyz, warped_xyz, Kq)
    tab1 = jnp.concatenate([f2_xyz, pad13, f2_points, pad48], -1).reshape(BN, 128)
    gg1 = _sc_gather(tab1, (idx1 + off).reshape(BN * Kq)).reshape(BN, Kq, 128)
    idx2 = _knn(warped_xyz, warped_xyz, Ks)
    wxyz2 = warped_xyz.reshape(BN, 3)

    Wm1 = jnp.zeros((128, 128), F32).at[0:3].set((A_gx + A_df).T) \
        .at[16:16 + C].set(A_gp.T)
    We1 = jnp.zeros((128, 64), F32).at[0:3].set((E_gx + E_df).T)
    y1, yenc, acc1, acce = _feat_pass(gg1, wxyz2, c1, c1e,
                                      Wm1, A_eu.T, We1, E_eu.T, Kq)

    s1, t1 = _st(acc1, M1, g1, be1)
    y2, acc2 = _mm_pass(y1, s1, t1, W2.T, b2[None], Kq)
    s2, t2 = _st(acc2, M1, g2, be2)
    y3, acc3 = _mm_pass(y2, s2, t2, W3.T, b3[None], Kq)
    s3, t3 = _st(acc3, M1, g3, be3)
    se, te = _st(acce, M1, ge, bee)
    y4, feat, acc4 = _comb2_pass(yenc, se, te, y3, s3, t3,
                                 W4[:, 0:C].T, W4[:, C:2 * C].T, b4[None], Kq)
    s4, t4 = _st(acc4, M1, g4, be4)
    y5, acc5 = _mm_pass(y4, s4, t4, W5.T, b5[None], Kq)
    s5, t5 = _st(acc5, M1, g5, be5)
    out1 = _smr_pass(y5, s5, t5, feat, Kq)

    tab2 = jnp.concatenate(
        [warped_xyz.reshape(BN, 3), pad13.reshape(BN, 13), out1,
         pad48.reshape(BN, 48)], -1)
    gg2 = _sc_gather(tab2, (idx2 + off).reshape(BN * Ks)).reshape(BN, Ks, 128)

    z1_128 = jnp.zeros((1, 128), F32)
    Wm2 = jnp.zeros((128, 128), F32).at[16:16 + C].set(W8g.T)
    We2p = jnp.zeros((128, 64), F32).at[0:3].set((E2_gx + E2_df).T)
    ya, yenc2, _, acce2 = _feat_pass(gg2, wxyz2, c7a, c7e,
                                     Wm2, z1_128, We2p, E2_eu.T, Ks)

    se2, te2 = _st(acce2, M2, ge2, bee2)
    y8, acc8 = _addres_pass(yenc2, se2, te2, ya, W8a.T, Ks)
    s8, t8 = _st(acc8, M2, g8, be8)
    y9, acc9 = _mm_pass(y8, s8, t8, W9.T, b9[None], Ks)
    s9, t9 = _st(acc9, M2, g9, be9)
    out = _smr_pass(y9, s9, t9, gg2, Ks, vlo=16)
    return out.reshape(B, N, C)

# --- scband reference (transcript-rebuilt; emitter-appended) ---
"""Pipeline reference for scband-cost-volume-23304492548691 (READ-ONLY COPY).

The authoritative reference and input builder live on the scoring server;
editing this copy changes nothing except your own understanding.
"""

import jax, jax.numpy as jnp
import numpy as np

NSAMPLE = 16
NSAMPLE_Q = 32


def knn_point(nsample, xyz, new_xyz):
    dist = -2.0 * jnp.einsum('bsc,bnc->bsn', new_xyz, xyz)
    dist = dist + jnp.sum(new_xyz ** 2, -1)[:, :, None]
    dist = dist + jnp.sum(xyz ** 2, -1)[:, None, :]
    _, idx = jax.lax.top_k(-dist, nsample)
    return idx


def group(points, idx):
    return jax.vmap(lambda p, i: p[i])(points, idx)


def conv_bn_relu(x, W, b, g, be):
    y = jnp.einsum('bnkc,oc->bnko', x, W) + b
    m = jnp.mean(y, axis=(0, 1, 2))
    v = jnp.var(y, axis=(0, 1, 2))
    y = (y - m) / jnp.sqrt(v + 1e-5) * g + be
    return jax.nn.relu(y)


def _layer(key, cout, cin):
    k1, k2 = jax.random.split(key)
    W = jax.random.normal(k1, (cout, cin), jnp.float32) * 0.05
    b = jnp.zeros((cout,), jnp.float32)
    g = jnp.ones((cout,), jnp.float32)
    be = jnp.zeros((cout,), jnp.float32)
    return (W, b, g, be)


def setup_inputs(seed: int = 0):
    key = jax.random.key(seed)
    ks = jax.random.split(key, 16)
    B, N, C = 2, 4096, 64
    warped_xyz = jax.random.normal(ks[0], (B, N, 3), jnp.float32)
    warped_points = jax.random.normal(ks[1], (B, N, C), jnp.float32)
    f2_xyz = jax.random.normal(ks[2], (B, N, 3), jnp.float32)
    f2_points = jax.random.normal(ks[3], (B, N, C), jnp.float32)
    params = {
        'mlp1': [_layer(ks[4], 128, 138), _layer(ks[5], 64, 128), _layer(ks[6], 64, 64)],
        'pi_enc': _layer(ks[7], 64, 10),
        'mlp2': [_layer(ks[8], 128, 128), _layer(ks[9], 64, 128)],
        'pc_enc': _layer(ks[10], 64, 10),
        'mlp2_2': [_layer(ks[11], 128, 192), _layer(ks[12], 64, 128)],
    }
    return {'warped_xyz': warped_xyz, 'warped_points': warped_points,
            'f2_xyz': f2_xyz, 'f2_points': f2_points, 'params': params}


def forward(warped_xyz, warped_points, f2_xyz, f2_points, params):
    B, N = warped_xyz.shape[0], warped_xyz.shape[1]
    Kq, Ks = NSAMPLE_Q, NSAMPLE
    # --- cross-frame grouping ---
    idx = knn_point(Kq, f2_xyz, warped_xyz)
    qi_xyz_grouped = group(f2_xyz, idx)
    qi_points_grouped = group(f2_points, idx)
    pi_xyz_expanded = jnp.broadcast_to(warped_xyz[:, :, None, :], (B, N, Kq, 3))
    pi_points_expanded = jnp.broadcast_to(warped_points[:, :, None, :], (B, N, Kq, warped_points.shape[-1]))
    pi_xyz_diff = qi_xyz_grouped - pi_xyz_expanded
    pi_euc_diff = jnp.sqrt(jnp.sum(pi_xyz_diff * pi_xyz_diff, axis=-1, keepdims=True) + 1e-20)
    pi_xyz_diff_concat = jnp.concatenate([pi_xyz_expanded, qi_xyz_grouped, pi_xyz_diff, pi_euc_diff], axis=3)
    pi_feat_diff = jnp.concatenate([pi_points_expanded, qi_points_grouped], axis=-1)
    pi_feat1_new = jnp.concatenate([pi_xyz_diff_concat, pi_feat_diff], axis=3)
    for (W, b, g, be) in params['mlp1']:
        pi_feat1_new = conv_bn_relu(pi_feat1_new, W, b, g, be)
    pi_xyz_encoding = conv_bn_relu(pi_xyz_diff_concat, *params['pi_enc'])
    pi_concat = jnp.concatenate([pi_xyz_encoding, pi_feat1_new], axis=3)
    for (W, b, g, be) in params['mlp2']:
        pi_concat = conv_bn_relu(pi_concat, W, b, g, be)
    WQ = jax.nn.softmax(pi_concat, axis=2)
    pi_feat1_new = jnp.sum(WQ * pi_feat1_new, axis=2)
    # --- self grouping ---
    idx2 = knn_point(Ks, warped_xyz, warped_xyz)
    pc_xyz_grouped = group(warped_xyz, idx2)
    pc_points_grouped = group(pi_feat1_new, idx2)
    pc_xyz_new = jnp.broadcast_to(warped_xyz[:, :, None, :], (B, N, Ks, 3))
    pc_points_new = jnp.broadcast_to(warped_points[:, :, None, :], (B, N, Ks, warped_points.shape[-1]))
    pc_xyz_diff = pc_xyz_grouped - pc_xyz_new
    pc_euc_diff = jnp.sqrt(jnp.sum(pc_xyz_diff * pc_xyz_diff, axis=3, keepdims=True) + 1e-20)
    pc_xyz_diff_concat = jnp.concatenate([pc_xyz_new, pc_xyz_grouped, pc_xyz_diff, pc_euc_diff], axis=3)
    pc_xyz_encoding = conv_bn_relu(pc_xyz_diff_concat, *params['pc_enc'])
    pc_concat = jnp.concatenate([pc_xyz_encoding, pc_points_new, pc_points_grouped], axis=-1)
    for (W, b, g, be) in params['mlp2_2']:
        pc_concat = conv_bn_relu(pc_concat, W, b, g, be)
    WP = jax.nn.softmax(pc_concat, axis=2)
    pc_feat1_new = WP * pc_points_grouped
    cost_volume_self = jnp.sum(pc_feat1_new, axis=2)
    return cost_volume_self


def reference(warped_xyz, warped_points, f2_xyz, f2_points, params):
    return forward(warped_xyz, warped_points, f2_xyz, f2_points, params)

if __name__ == "__main__":
    import jax
    _d = setup_inputs()
    print(jax.jit(kernel)(*tuple(_d.values())))

</pallas_src>

<mosaic_0001>
#map = affine_map<(d0, d1) -> (0, 0)>
module attributes {stable_mosaic.version = 14 : i64} {
  func.func @k(%arg0: i32, %arg1: i32, %arg2: memref<8192x128xf32, #tpu.memory_space<hbm>>, %arg3: memref<2048x128xi32, #tpu.memory_space<hbm>>, %arg4: memref<262144x128xf32, #tpu.memory_space<hbm>>, %arg5: memref<64x128xi32, #tpu.memory_space<vmem>>, %arg6: memref<128x128xf32, #tpu.memory_space<vmem>>, %arg7: memref<128x128xf32, #tpu.memory_space<vmem>>, %arg8: memref<!tpu.dma_semaphore, #tpu.memory_space<semaphore_mem>>, %arg9: memref<!tpu.dma_semaphore, #tpu.memory_space<semaphore_mem>>) attributes {dimension_semantics = [#tpu.dimension_semantics<core_parallel>, #tpu.dimension_semantics<subcore_parallel>], iteration_bounds = array<i64: 2, 16>, scalar_prefetch = 0 : i64, scratch_operands = 5 : i64, tpu.core_type = #tpu.core_type<sc_vector_subcore>, window_params = [{transform_indices = #map}, {transform_indices = #map}, {transform_indices = #map}]} {
    %mul3A = arith.constant 2 : i32
    %mul3A_0 = arith.muli %arg1, %mul3A : i32
    %add3A = arith.addi %mul3A_0, %arg0 : i32
    %mul3A_1 = arith.constant 8192 : i32
    %mul3A_2 = arith.muli %add3A, %mul3A_1 : i32
    %mul3A_3 = arith.constant 64 : i32
    %mul3A_4 = arith.muli %add3A, %mul3A_3 : i32
    "tpu.region"() ({
      %run_scoped3A = tpu.sem_alloc : memref<!tpu.dma_semaphore, #tpu.memory_space<semaphore_mem>>
      %dma_start3A_16 = arith.constant 0 : i32
      %dma_start3A_17 = tpu.memref_slice %arg3[%mul3A_4, %dma_start3A_16] : memref<2048x128xi32, #tpu.memory_space<hbm>> -> memref<64x128xi32, #tpu.memory_space<hbm>>
      %dma_start3A_18 = arith.constant 0 : i32
      %dma_start3A_19 = tpu.memref_slice %arg3[%mul3A_4, %dma_start3A_18] : memref<2048x128xi32, #tpu.memory_space<hbm>> -> memref<64x128xi32, #tpu.memory_space<hbm>>
      tpu.enqueue_dma source(%dma_start3A_19 : memref<64x128xi32, #tpu.memory_space<hbm>>) target(%arg5 : memref<64x128xi32, #tpu.memory_space<vmem>>) target_semaphore(%run_scoped3A : memref<!tpu.dma_semaphore, #tpu.memory_space<semaphore_mem>>)
      %dma_wait3A = arith.constant 0 : i32
      %dma_wait3A_20 = tpu.memref_slice %arg3[%mul3A_4, %dma_wait3A] : memref<2048x128xi32, #tpu.memory_space<hbm>> -> memref<64x128xi32, #tpu.memory_space<hbm>>
      %dma_wait3A_21 = arith.constant 0 : i32
      %dma_wait3A_22 = tpu.memref_slice %arg3[%mul3A_4, %dma_wait3A_21] : memref<2048x128xi32, #tpu.memory_space<hbm>> -> memref<64x128xi32, #tpu.memory_space<hbm>>
      tpu.wait_dma2 semaphore(%run_scoped3A : memref<!tpu.dma_semaphore, #tpu.memory_space<semaphore_mem>>) src(%dma_wait3A_22 : memref<64x128xi32, #tpu.memory_space<hbm>>) dst(%arg5 : memref<64x128xi32, #tpu.memory_space<vmem>>)
      tpu.yield
    }) : () -> ()
    %dma_start3A = arith.constant 0 : i32
    %dma_start3A_5 = arith.constant 0 : i32
    %dma_start3A_6 = tpu.memref_slice %arg5[%dma_start3A, %dma_start3A_5] : memref<64x128xi32, #tpu.memory_space<vmem>> -> memref<1x128xi32, #tpu.memory_space<vmem>>
    %dma_start3A_7 = tpu.memref_squeeze %dma_start3A_6 : memref<1x128xi32, #tpu.memory_space<vmem>> -> memref<128xi32, #tpu.memory_space<vmem>>
    %dma_start3A_8 = arith.constant 0 : i32
    %dma_start3A_9 = arith.constant 0 : i32
    %dma_start3A_10 = tpu.memref_slice %arg2[%dma_start3A_8, %dma_start3A_9] : memref<8192x128xf32, #tpu.memory_space<hbm>> -> memref<8192x128xf32, #tpu.memory_space<hbm>>
    tpu.enqueue_indirect_dma source(%dma_start3A_10 : memref<8192x128xf32, #tpu.memory_space<hbm>>) target(%arg6 : memref<128x128xf32, #tpu.memory_space<vmem>>) offsets(%dma_start3A_7 : memref<128xi32, #tpu.memory_space<vmem>>) semaphore(%arg8 : memref<!tpu.dma_semaphore, #tpu.memory_space<semaphore_mem>>)
    %scan3A = arith.constant 0 : i32
    %scan3A_11 = arith.constant 0 : i32
    %scan3A_12 = arith.constant 32 : i32
    %scan3A_13 = arith.addi %scan3A_11, %scan3A_12 : i32
    %scan3A_14 = arith.constant 1 : i32
    scf.for %scan3A_16 = %scan3A_11 to %scan3A_13 step %scan3A_14  : i32 {
      %mul3A_17 = arith.constant 2 : i32
      %mul3A_18 = arith.muli %mul3A_17, %scan3A_16 : i32
      %add3A_19 = arith.constant 1 : i32
      %add3A_20 = arith.addi %mul3A_18, %add3A_19 : i32
      %dma_start3A_21 = arith.constant 0 : i32
      %dma_start3A_22 = tpu.memref_slice %arg5[%add3A_20, %dma_start3A_21] : memref<64x128xi32, #tpu.memory_space<vmem>> -> memref<1x128xi32, #tpu.memory_space<vmem>>
      %dma_start3A_23 = tpu.memref_squeeze %dma_start3A_22 : memref<1x128xi32, #tpu.memory_space<vmem>> -> memref<128xi32, #tpu.memory_space<vmem>>
      %dma_start3A_24 = arith.constant 0 : i32
      %dma_start3A_25 = arith.constant 0 : i32
      %dma_start3A_26 = tpu.memref_slice %arg2[%dma_start3A_24, %dma_start3A_25] : memref<8192x128xf32, #tpu.memory_space<hbm>> -> memref<8192x128xf32, #tpu.memory_space<hbm>>
      tpu.enqueue_indirect_dma source(%dma_start3A_26 : memref<8192x128xf32, #tpu.memory_space<hbm>>) target(%arg7 : memref<128x128xf32, #tpu.memory_space<vmem>>) offsets(%dma_start3A_23 : memref<128xi32, #tpu.memory_space<vmem>>) semaphore(%arg9 : memref<!tpu.dma_semaphore, #tpu.memory_space<semaphore_mem>>)
      %dma_wait3A = arith.constant 0 : i32
      %dma_wait3A_27 = tpu.memref_slice %arg5[%mul3A_18, %dma_wait3A] : memref<64x128xi32, #tpu.memory_space<vmem>> -> memref<1x128xi32, #tpu.memory_space<vmem>>
      %dma_wait3A_28 = tpu.memref_squeeze %dma_wait3A_27 : memref<1x128xi32, #tpu.memory_space<vmem>> -> memref<128xi32, #tpu.memory_space<vmem>>
      %dma_wait3A_29 = arith.constant 0 : i32
      %dma_wait3A_30 = arith.constant 0 : i32
      %dma_wait3A_31 = tpu.memref_slice %arg2[%dma_wait3A_29, %dma_wait3A_30] : memref<8192x128xf32, #tpu.memory_space<hbm>> -> memref<8192x128xf32, #tpu.memory_space<hbm>>
      tpu.wait_indirect_dma semaphore(%arg8 : memref<!tpu.dma_semaphore, #tpu.memory_space<semaphore_mem>>) src(%dma_wait3A_31 : memref<8192x128xf32, #tpu.memory_space<hbm>>) dst(%arg6 : memref<128x128xf32, #tpu.memory_space<vmem>>)
      %mul3A_32 = arith.constant 128 : i32
      %mul3A_33 = arith.muli %mul3A_18, %mul3A_32 : i32
      %add3A_34 = arith.addi %mul3A_2, %mul3A_33 : i32
      "tpu.region"() ({
        %run_scoped3A = tpu.sem_alloc : memref<!tpu.dma_semaphore, #tpu.memory_space<semaphore_mem>>
        %dma_start3A_52 = arith.constant 0 : i32
        %dma_start3A_53 = tpu.memref_slice %arg4[%add3A_34, %dma_start3A_52] : memref<262144x128xf32, #tpu.memory_space<hbm>> -> memref<128x128xf32, #tpu.memory_space<hbm>>
        %dma_start3A_54 = arith.constant 0 : i32
        %dma_start3A_55 = tpu.memref_slice %arg4[%add3A_34, %dma_start3A_54] : memref<262144x128xf32, #tpu.memory_space<hbm>> -> memref<128x128xf32, #tpu.memory_space<hbm>>
        tpu.enqueue_dma source(%arg6 : memref<128x128xf32, #tpu.memory_space<vmem>>) target(%dma_start3A_55 : memref<128x128xf32, #tpu.memory_space<hbm>>) target_semaphore(%run_scoped3A : memref<!tpu.dma_semaphore, #tpu.memory_space<semaphore_mem>>)
        %dma_wait3A_56 = arith.constant 0 : i32
        %dma_wait3A_57 = tpu.memref_slice %arg4[%add3A_34, %dma_wait3A_56] : memref<262144x128xf32, #tpu.memory_space<hbm>> -> memref<128x128xf32, #tpu.memory_space<hbm>>
        %dma_wait3A_58 = arith.constant 0 : i32
        %dma_wait3A_59 = tpu.memref_slice %arg4[%add3A_34, %dma_wait3A_58] : memref<262144x128xf32, #tpu.memory_space<hbm>> -> memref<128x128xf32, #tpu.memory_space<hbm>>
        tpu.wait_dma2 semaphore(%run_scoped3A : memref<!tpu.dma_semaphore, #tpu.memory_space<semaphore_mem>>) src(%arg6 : memref<128x128xf32, #tpu.memory_space<vmem>>) dst(%dma_wait3A_59 : memref<128x128xf32, #tpu.memory_space<hbm>>)
        tpu.yield
      }) : () -> ()
      %add3A_35 = arith.constant 1 : i32
      %add3A_36 = arith.addi %scan3A_16, %add3A_35 : i32
      %lt3A = arith.constant 32 : i32
      %lt3A_37 = arith.cmpi slt, %add3A_36, %lt3A : i32
      %convert_element_type3A = arith.extui %lt3A_37 : i1 to i32
      %cond3A = arith.constant 0 : i32
      %cond3A_38 = arith.cmpi ne, %convert_element_type3A, %cond3A : i32
      scf.if %cond3A_38 {
        %add3A_52 = arith.constant 2 : i32
        %add3A_53 = arith.addi %mul3A_18, %add3A_52 : i32
        %dma_start3A_54 = arith.constant 0 : i32
        %dma_start3A_55 = tpu.memref_slice %arg5[%add3A_53, %dma_start3A_54] : memref<64x128xi32, #tpu.memory_space<vmem>> -> memref<1x128xi32, #tpu.memory_space<vmem>>
        %dma_start3A_56 = tpu.memref_squeeze %dma_start3A_55 : memref<1x128xi32, #tpu.memory_space<vmem>> -> memref<128xi32, #tpu.memory_space<vmem>>
        %dma_start3A_57 = arith.constant 0 : i32
        %dma_start3A_58 = arith.constant 0 : i32
        %dma_start3A_59 = tpu.memref_slice %arg2[%dma_start3A_57, %dma_start3A_58] : memref<8192x128xf32, #tpu.memory_space<hbm>> -> memref<8192x128xf32, #tpu.memory_space<hbm>>
        tpu.enqueue_indirect_dma source(%dma_start3A_59 : memref<8192x128xf32, #tpu.memory_space<hbm>>) target(%arg6 : memref<128x128xf32, #tpu.memory_space<vmem>>) offsets(%dma_start3A_56 : memref<128xi32, #tpu.memory_space<vmem>>) semaphore(%arg8 : memref<!tpu.dma_semaphore, #tpu.memory_space<semaphore_mem>>)
      } else {
      }
      %add3A_39 = arith.constant 1 : i32
      %add3A_40 = arith.addi %mul3A_18, %add3A_39 : i32
      %dma_wait3A_41 = arith.constant 0 : i32
      %dma_wait3A_42 = tpu.memref_slice %arg5[%add3A_40, %dma_wait3A_41] : memref<64x128xi32, #tpu.memory_space<vmem>> -> memref<1x128xi32, #tpu.memory_space<vmem>>
      %dma_wait3A_43 = tpu.memref_squeeze %dma_wait3A_42 : memref<1x128xi32, #tpu.memory_space<vmem>> -> memref<128xi32, #tpu.memory_space<vmem>>
      %dma_wait3A_44 = arith.constant 0 : i32
      %dma_wait3A_45 = arith.constant 0 : i32
      %dma_wait3A_46 = tpu.memref_slice %arg2[%dma_wait3A_44, %dma_wait3A_45] : memref<8192x128xf32, #tpu.memory_space<hbm>> -> memref<8192x128xf32, #tpu.memory_space<hbm>>
      tpu.wait_indirect_dma semaphore(%arg9 : memref<!tpu.dma_semaphore, #tpu.memory_space<semaphore_mem>>) src(%dma_wait3A_46 : memref<8192x128xf32, #tpu.memory_space<hbm>>) dst(%arg7 : memref<128x128xf32, #tpu.memory_space<vmem>>)
      %add3A_47 = arith.constant 1 : i32
      %add3A_48 = arith.addi %mul3A_18, %add3A_47 : i32
      %mul3A_49 = arith.constant 128 : i32
      %mul3A_50 = arith.muli %add3A_48, %mul3A_49 : i32
      %add3A_51 = arith.addi %mul3A_2, %mul3A_50 : i32
      "tpu.region"() ({
        %run_scoped3A = tpu.sem_alloc : memref<!tpu.dma_semaphore, #tpu.memory_space<semaphore_mem>>
        %dma_start3A_52 = arith.constant 0 : i32
        %dma_start3A_53 = tpu.memref_slice %arg4[%add3A_51, %dma_start3A_52] : memref<262144x128xf32, #tpu.memory_space<hbm>> -> memref<128x128xf32, #tpu.memory_space<hbm>>
        %dma_start3A_54 = arith.constant 0 : i32
        %dma_start3A_55 = tpu.memref_slice %arg4[%add3A_51, %dma_start3A_54] : memref<262144x128xf32, #tpu.memory_space<hbm>> -> memref<128x128xf32, #tpu.memory_space<hbm>>
        tpu.enqueue_dma source(%arg7 : memref<128x128xf32, #tpu.memory_space<vmem>>) target(%dma_start3A_55 : memref<128x128xf32, #tpu.memory_space<hbm>>) target_semaphore(%run_scoped3A : memref<!tpu.dma_semaphore, #tpu.memory_space<semaphore_mem>>)
        %dma_wait3A_56 = arith.constant 0 : i32
        %dma_wait3A_57 = tpu.memref_slice %arg4[%add3A_51, %dma_wait3A_56] : memref<262144x128xf32, #tpu.memory_space<hbm>> -> memref<128x128xf32, #tpu.memory_space<hbm>>
        %dma_wait3A_58 = arith.constant 0 : i32
        %dma_wait3A_59 = tpu.memref_slice %arg4[%add3A_51, %dma_wait3A_58] : memref<262144x128xf32, #tpu.memory_space<hbm>> -> memref<128x128xf32, #tpu.memory_space<hbm>>
        tpu.wait_dma2 semaphore(%run_scoped3A : memref<!tpu.dma_semaphore, #tpu.memory_space<semaphore_mem>>) src(%arg7 : memref<128x128xf32, #tpu.memory_space<vmem>>) dst(%dma_wait3A_59 : memref<128x128xf32, #tpu.memory_space<hbm>>)
        tpu.yield
      }) : () -> ()
    }
    %scan3A_15 = arith.constant 32 : i32
    return
  }
}

#map = affine_map<(d0, d1) -> (0, 0)>
module attributes {stable_mosaic.version = 14 : i64} {
  func.func @k(%arg0: i32, %arg1: i32, %arg2: memref<8192x128xf32, #tpu.memory_space<hbm>>, %arg3: memref<1024x128xi32, #tpu.memory_space<hbm>>, %arg4: memref<131072x128xf32, #tpu.memory_space<hbm>>, %arg5: memref<32x128xi32, #tpu.memory_space<vmem>>, %arg6: memref<128x128xf32, #tpu.memory_space<vmem>>, %arg7: memref<128x128xf32, #tpu.memory_space<vmem>>, %arg8: memref<!tpu.dma_semaphore, #tpu.memory_space<semaphore_mem>>, %arg9: memref<!tpu.dma_semaphore, #tpu.memory_space<semaphore_mem>>) attributes {dimension_semantics = [#tpu.dimension_semantics<core_parallel>, #tpu.dimension_semantics<subcore_parallel>], iteration_bounds = array<i64: 2, 16>, scalar_prefetch = 0 : i64, scratch_operands = 5 : i64, tpu.core_type = #tpu.core_type<sc_vector_subcore>, window_params = [{transform_indices = #map}, {transform_indices = #map}, {transform_indices = #map}]} {
    %mul3A = arith.constant 2 : i32
    %mul3A_0 = arith.muli %arg1, %mul3A : i32
    %add3A = arith.addi %mul3A_0, %arg0 : i32
    %mul3A_1 = arith.constant 4096 : i32
    %mul3A_2 = arith.muli %add3A, %mul3A_1 : i32
    %mul3A_3 = arith.constant 32 : i32
    %mul3A_4 = arith.muli %add3A, %mul3A_3 : i32
    "tpu.region"() ({
      %run_scoped3A = tpu.sem_alloc : memref<!tpu.dma_semaphore, #tpu.memory_space<semaphore_mem>>
      %dma_start3A_16 = arith.constant 0 : i32
      %dma_start3A_17 = tpu.memref_slice %arg3[%mul3A_4, %dma_start3A_16] : memref<1024x128xi32, #tpu.memory_space<hbm>> -> memref<32x128xi32, #tpu.memory_space<hbm>>
      %dma_start3A_18 = arith.constant 0 : i32
      %dma_start3A_19 = tpu.memref_slice %arg3[%mul3A_4, %dma_start3A_18] : memref<1024x128xi32, #tpu.memory_space<hbm>> -> memref<32x128xi32, #tpu.memory_space<hbm>>
      tpu.enqueue_dma source(%dma_start3A_19 : memref<32x128xi32, #tpu.memory_space<hbm>>) target(%arg5 : memref<32x128xi32, #tpu.memory_space<vmem>>) target_semaphore(%run_scoped3A : memref<!tpu.dma_semaphore, #tpu.memory_space<semaphore_mem>>)
      %dma_wait3A = arith.constant 0 : i32
      %dma_wait3A_20 = tpu.memref_slice %arg3[%mul3A_4, %dma_wait3A] : memref<1024x128xi32, #tpu.memory_space<hbm>> -> memref<32x128xi32, #tpu.memory_space<hbm>>
      %dma_wait3A_21 = arith.constant 0 : i32
      %dma_wait3A_22 = tpu.memref_slice %arg3[%mul3A_4, %dma_wait3A_21] : memref<1024x128xi32, #tpu.memory_space<hbm>> -> memref<32x128xi32, #tpu.memory_space<hbm>>
      tpu.wait_dma2 semaphore(%run_scoped3A : memref<!tpu.dma_semaphore, #tpu.memory_space<semaphore_mem>>) src(%dma_wait3A_22 : memref<32x128xi32, #tpu.memory_space<hbm>>) dst(%arg5 : memref<32x128xi32, #tpu.memory_space<vmem>>)
      tpu.yield
    }) : () -> ()
    %dma_start3A = arith.constant 0 : i32
    %dma_start3A_5 = arith.constant 0 : i32
    %dma_start3A_6 = tpu.memref_slice %arg5[%dma_start3A, %dma_start3A_5] : memref<32x128xi32, #tpu.memory_space<vmem>> -> memref<1x128xi32, #tpu.memory_space<vmem>>
    %dma_start3A_7 = tpu.memref_squeeze %dma_start3A_6 : memref<1x128xi32, #tpu.memory_space<vmem>> -> memref<128xi32, #tpu.memory_space<vmem>>
    %dma_start3A_8 = arith.constant 0 : i32
    %dma_start3A_9 = arith.constant 0 : i32
    %dma_start3A_10 = tpu.memref_slice %arg2[%dma_start3A_8, %dma_start3A_9] : memref<8192x128xf32, #tpu.memory_space<hbm>> -> memref<8192x128xf32, #tpu.memory_space<hbm>>
    tpu.enqueue_indirect_dma source(%dma_start3A_10 : memref<8192x128xf32, #tpu.memory_space<hbm>>) target(%arg6 : memref<128x128xf32, #tpu.memory_space<vmem>>) offsets(%dma_start3A_7 : memref<128xi32, #tpu.memory_space<vmem>>) semaphore(%arg8 : memref<!tpu.dma_semaphore, #tpu.memory_space<semaphore_mem>>)
    %scan3A = arith.constant 0 : i32
    %scan3A_11 = arith.constant 0 : i32
    %scan3A_12 = arith.constant 16 : i32
    %scan3A_13 = arith.addi %scan3A_11, %scan3A_12 : i32
    %scan3A_14 = arith.constant 1 : i32
    scf.for %scan3A_16 = %scan3A_11 to %scan3A_13 step %scan3A_14  : i32 {
      %mul3A_17 = arith.constant 2 : i32
      %mul3A_18 = arith.muli %mul3A_17, %scan3A_16 : i32
      %add3A_19 = arith.constant 1 : i32
      %add3A_20 = arith.addi %mul3A_18, %add3A_19 : i32
      %dma_start3A_21 = arith.constant 0 : i32
      %dma_start3A_22 = tpu.memref_slice %arg5[%add3A_20, %dma_start3A_21] : memref<32x128xi32, #tpu.memory_space<vmem>> -> memref<1x128xi32, #tpu.memory_space<vmem>>
      %dma_start3A_23 = tpu.memref_squeeze %dma_start3A_22 : memref<1x128xi32, #tpu.memory_space<vmem>> -> memref<128xi32, #tpu.memory_space<vmem>>
      %dma_start3A_24 = arith.constant 0 : i32
      %dma_start3A_25 = arith.constant 0 : i32
      %dma_start3A_26 = tpu.memref_slice %arg2[%dma_start3A_24, %dma_start3A_25] : memref<8192x128xf32, #tpu.memory_space<hbm>> -> memref<8192x128xf32, #tpu.memory_space<hbm>>
      tpu.enqueue_indirect_dma source(%dma_start3A_26 : memref<8192x128xf32, #tpu.memory_space<hbm>>) target(%arg7 : memref<128x128xf32, #tpu.memory_space<vmem>>) offsets(%dma_start3A_23 : memref<128xi32, #tpu.memory_space<vmem>>) semaphore(%arg9 : memref<!tpu.dma_semaphore, #tpu.memory_space<semaphore_mem>>)
      %dma_wait3A = arith.constant 0 : i32
      %dma_wait3A_27 = tpu.memref_slice %arg5[%mul3A_18, %dma_wait3A] : memref<32x128xi32, #tpu.memory_space<vmem>> -> memref<1x128xi32, #tpu.memory_space<vmem>>
      %dma_wait3A_28 = tpu.memref_squeeze %dma_wait3A_27 : memref<1x128xi32, #tpu.memory_space<vmem>> -> memref<128xi32, #tpu.memory_space<vmem>>
      %dma_wait3A_29 = arith.constant 0 : i32
      %dma_wait3A_30 = arith.constant 0 : i32
      %dma_wait3A_31 = tpu.memref_slice %arg2[%dma_wait3A_29, %dma_wait3A_30] : memref<8192x128xf32, #tpu.memory_space<hbm>> -> memref<8192x128xf32, #tpu.memory_space<hbm>>
      tpu.wait_indirect_dma semaphore(%arg8 : memref<!tpu.dma_semaphore, #tpu.memory_space<semaphore_mem>>) src(%dma_wait3A_31 : memref<8192x128xf32, #tpu.memory_space<hbm>>) dst(%arg6 : memref<128x128xf32, #tpu.memory_space<vmem>>)
      %mul3A_32 = arith.constant 128 : i32
      %mul3A_33 = arith.muli %mul3A_18, %mul3A_32 : i32
      %add3A_34 = arith.addi %mul3A_2, %mul3A_33 : i32
      "tpu.region"() ({
        %run_scoped3A = tpu.sem_alloc : memref<!tpu.dma_semaphore, #tpu.memory_space<semaphore_mem>>
        %dma_start3A_52 = arith.constant 0 : i32
        %dma_start3A_53 = tpu.memref_slice %arg4[%add3A_34, %dma_start3A_52] : memref<131072x128xf32, #tpu.memory_space<hbm>> -> memref<128x128xf32, #tpu.memory_space<hbm>>
        %dma_start3A_54 = arith.constant 0 : i32
        %dma_start3A_55 = tpu.memref_slice %arg4[%add3A_34, %dma_start3A_54] : memref<131072x128xf32, #tpu.memory_space<hbm>> -> memref<128x128xf32, #tpu.memory_space<hbm>>
        tpu.enqueue_dma source(%arg6 : memref<128x128xf32, #tpu.memory_space<vmem>>) target(%dma_start3A_55 : memref<128x128xf32, #tpu.memory_space<hbm>>) target_semaphore(%run_scoped3A : memref<!tpu.dma_semaphore, #tpu.memory_space<semaphore_mem>>)
        %dma_wait3A_56 = arith.constant 0 : i32
        %dma_wait3A_57 = tpu.memref_slice %arg4[%add3A_34, %dma_wait3A_56] : memref<131072x128xf32, #tpu.memory_space<hbm>> -> memref<128x128xf32, #tpu.memory_space<hbm>>
        %dma_wait3A_58 = arith.constant 0 : i32
        %dma_wait3A_59 = tpu.memref_slice %arg4[%add3A_34, %dma_wait3A_58] : memref<131072x128xf32, #tpu.memory_space<hbm>> -> memref<128x128xf32, #tpu.memory_space<hbm>>
        tpu.wait_dma2 semaphore(%run_scoped3A : memref<!tpu.dma_semaphore, #tpu.memory_space<semaphore_mem>>) src(%arg6 : memref<128x128xf32, #tpu.memory_space<vmem>>) dst(%dma_wait3A_59 : memref<128x128xf32, #tpu.memory_space<hbm>>)
        tpu.yield
      }) : () -> ()
      %add3A_35 = arith.constant 1 : i32
      %add3A_36 = arith.addi %scan3A_16, %add3A_35 : i32
      %lt3A = arith.constant 16 : i32
      %lt3A_37 = arith.cmpi slt, %add3A_36, %lt3A : i32
      %convert_element_type3A = arith.extui %lt3A_37 : i1 to i32
      %cond3A = arith.constant 0 : i32
      %cond3A_38 = arith.cmpi ne, %convert_element_type3A, %cond3A : i32
      scf.if %cond3A_38 {
        %add3A_52 = arith.constant 2 : i32
        %add3A_53 = arith.addi %mul3A_18, %add3A_52 : i32
        %dma_start3A_54 = arith.constant 0 : i32
        %dma_start3A_55 = tpu.memref_slice %arg5[%add3A_53, %dma_start3A_54] : memref<32x128xi32, #tpu.memory_space<vmem>> -> memref<1x128xi32, #tpu.memory_space<vmem>>
        %dma_start3A_56 = tpu.memref_squeeze %dma_start3A_55 : memref<1x128xi32, #tpu.memory_space<vmem>> -> memref<128xi32, #tpu.memory_space<vmem>>
        %dma_start3A_57 = arith.constant 0 : i32
        %dma_start3A_58 = arith.constant 0 : i32
        %dma_start3A_59 = tpu.memref_slice %arg2[%dma_start3A_57, %dma_start3A_58] : memref<8192x128xf32, #tpu.memory_space<hbm>> -> memref<8192x128xf32, #tpu.memory_space<hbm>>
        tpu.enqueue_indirect_dma source(%dma_start3A_59 : memref<8192x128xf32, #tpu.memory_space<hbm>>) target(%arg6 : memref<128x128xf32, #tpu.memory_space<vmem>>) offsets(%dma_start3A_56 : memref<128xi32, #tpu.memory_space<vmem>>) semaphore(%arg8 : memref<!tpu.dma_semaphore, #tpu.memory_space<semaphore_mem>>)
      } else {
      }
      %add3A_39 = arith.constant 1 : i32
      %add3A_40 = arith.addi %mul3A_18, %add3A_39 : i32
      %dma_wait3A_41 = arith.constant 0 : i32
      %dma_wait3A_42 = tpu.memref_slice %arg5[%add3A_40, %dma_wait3A_41] : memref<32x128xi32, #tpu.memory_space<vmem>> -> memref<1x128xi32, #tpu.memory_space<vmem>>
      %dma_wait3A_43 = tpu.memref_squeeze %dma_wait3A_42 : memref<1x128xi32, #tpu.memory_space<vmem>> -> memref<128xi32, #tpu.memory_space<vmem>>
      %dma_wait3A_44 = arith.constant 0 : i32
      %dma_wait3A_45 = arith.constant 0 : i32
      %dma_wait3A_46 = tpu.memref_slice %arg2[%dma_wait3A_44, %dma_wait3A_45] : memref<8192x128xf32, #tpu.memory_space<hbm>> -> memref<8192x128xf32, #tpu.memory_space<hbm>>
      tpu.wait_indirect_dma semaphore(%arg9 : memref<!tpu.dma_semaphore, #tpu.memory_space<semaphore_mem>>) src(%dma_wait3A_46 : memref<8192x128xf32, #tpu.memory_space<hbm>>) dst(%arg7 : memref<128x128xf32, #tpu.memory_space<vmem>>)
      %add3A_47 = arith.constant 1 : i32
      %add3A_48 = arith.addi %mul3A_18, %add3A_47 : i32
      %mul3A_49 = arith.constant 128 : i32
      %mul3A_50 = arith.muli %add3A_48, %mul3A_49 : i32
      %add3A_51 = arith.addi %mul3A_2, %mul3A_50 : i32
      "tpu.region"() ({
        %run_scoped3A = tpu.sem_alloc : memref<!tpu.dma_semaphore, #tpu.memory_space<semaphore_mem>>
        %dma_start3A_52 = arith.constant 0 : i32
        %dma_start3A_53 = tpu.memref_slice %arg4[%add3A_51, %dma_start3A_52] : memref<131072x128xf32, #tpu.memory_space<hbm>> -> memref<128x128xf32, #tpu.memory_space<hbm>>
        %dma_start3A_54 = arith.constant 0 : i32
        %dma_start3A_55 = tpu.memref_slice %arg4[%add3A_51, %dma_start3A_54] : memref<131072x128xf32, #tpu.memory_space<hbm>> -> memref<128x128xf32, #tpu.memory_space<hbm>>
        tpu.enqueue_dma source(%arg7 : memref<128x128xf32, #tpu.memory_space<vmem>>) target(%dma_start3A_55 : memref<128x128xf32, #tpu.memory_space<hbm>>) target_semaphore(%run_scoped3A : memref<!tpu.dma_semaphore, #tpu.memory_space<semaphore_mem>>)
        %dma_wait3A_56 = arith.constant 0 : i32
        %dma_wait3A_57 = tpu.memref_slice %arg4[%add3A_51, %dma_wait3A_56] : memref<131072x128xf32, #tpu.memory_space<hbm>> -> memref<128x128xf32, #tpu.memory_space<hbm>>
        %dma_wait3A_58 = arith.constant 0 : i32
        %dma_wait3A_59 = tpu.memref_slice %arg4[%add3A_51, %dma_wait3A_58] : memref<131072x128xf32, #tpu.memory_space<hbm>> -> memref<128x128xf32, #tpu.memory_space<hbm>>
        tpu.wait_dma2 semaphore(%run_scoped3A : memref<!tpu.dma_semaphore, #tpu.memory_space<semaphore_mem>>) src(%arg7 : memref<128x128xf32, #tpu.memory_space<vmem>>) dst(%dma_wait3A_59 : memref<128x128xf32, #tpu.memory_space<hbm>>)
        tpu.yield
      }) : () -> ()
    }
    %scan3A_15 = arith.constant 16 : i32
    return
  }
}

module attributes {stable_mosaic.version = 14 : i64} {
  func.func @_knn_body(%arg0: i32, %arg1: i32, %arg2: memref<1x1024x3xf32, #tpu.memory_space<vmem>>, %arg3: memref<1x3x4096xf32, #tpu.memory_space<vmem>>, %arg4: memref<1x1024x32xi32, #tpu.memory_space<vmem>>, %arg5: memref<1024x4096xf32, #tpu.memory_space<vmem>>) attributes {dimension_semantics = [#tpu.dimension_semantics<arbitrary>, #tpu.dimension_semantics<arbitrary>], iteration_bounds = array<i64: 2, 4>, scalar_prefetch = 0 : i64, scratch_operands = 1 : i64, tpu.core_type = #tpu.core_type<tc>, window_params = [{transform_indices = @transform_0, window_bounds = array<i64: 1, 1024, 3>}, {transform_indices = @transform_1, window_bounds = array<i64: 1, 3, 4096>}, {transform_indices = @transform_2, window_bounds = array<i64: 1, 1024, 32>}]} {
    %get3A = arith.constant 0 : index
    %get3A_0 = arith.constant 0 : index
    %get3A_1 = arith.constant 0 : index
    %get3A_2 = vector.load %arg2[%get3A, %get3A_0, %get3A_1] : memref<1x1024x3xf32, #tpu.memory_space<vmem>>, vector<1x1024x3xf32>
    %get3A_3 = vector.shape_cast %get3A_2 : vector<1x1024x3xf32> to vector<1024x3xf32>
    %get3A_4 = arith.constant 0 : index
    %get3A_5 = arith.constant 0 : index
    %get3A_6 = arith.constant 0 : index
    %get3A_7 = vector.load %arg3[%get3A_4, %get3A_5, %get3A_6] : memref<1x3x4096xf32, #tpu.memory_space<vmem>>, vector<1x3x4096xf32>
    %get3A_8 = vector.shape_cast %get3A_7 : vector<1x3x4096xf32> to vector<3x4096xf32>
    %convert_element_type3A = arith.truncf %get3A_3 : vector<1024x3xf32> to vector<1024x3xbf16>
    %convert_element_type3A_9 = arith.extf %convert_element_type3A : vector<1024x3xbf16> to vector<1024x3xf32>
    %convert_element_type3A_10 = arith.truncf %get3A_8 : vector<3x4096xf32> to vector<3x4096xbf16>
    %convert_element_type3A_11 = arith.extf %convert_element_type3A_10 : vector<3x4096xbf16> to vector<3x4096xf32>
    %slice3A = vector.extract_strided_slice %convert_element_type3A_9 {offsets = [0, 0], sizes = [1024, 1], strides = [1, 1]} : vector<1024x3xf32> to vector<1024x1xf32>
    %slice3A_12 = vector.extract_strided_slice %convert_element_type3A_11 {offsets = [0, 0], sizes = [1, 4096], strides = [1, 1]} : vector<3x4096xf32> to vector<1x4096xf32>
    %mul3A = vector.broadcast %slice3A : vector<1024x1xf32> to vector<1024x4096xf32>
    %mul3A_13 = vector.broadcast %slice3A_12 : vector<1x4096xf32> to vector<1024x4096xf32>
    %mul3A_14 = arith.mulf %mul3A, %mul3A_13 : vector<1024x4096xf32>
    %slice3A_15 = vector.extract_strided_slice %convert_element_type3A_9 {offsets = [0, 1], sizes = [1024, 1], strides = [1, 1]} : vector<1024x3xf32> to vector<1024x1xf32>
    %slice3A_16 = vector.extract_strided_slice %convert_element_type3A_11 {offsets = [1, 0], sizes = [1, 4096], strides = [1, 1]} : vector<3x4096xf32> to vector<1x4096xf32>
    %mul3A_17 = vector.broadcast %slice3A_15 : vector<1024x1xf32> to vector<1024x4096xf32>
    %mul3A_18 = vector.broadcast %slice3A_16 : vector<1x4096xf32> to vector<1024x4096xf32>
    %mul3A_19 = arith.mulf %mul3A_17, %mul3A_18 : vector<1024x4096xf32>
    %add3A = arith.addf %mul3A_14, %mul3A_19 : vector<1024x4096xf32>
    %slice3A_20 = vector.extract_strided_slice %convert_element_type3A_9 {offsets = [0, 2], sizes = [1024, 1], strides = [1, 1]} : vector<1024x3xf32> to vector<1024x1xf32>
    %slice3A_21 = vector.extract_strided_slice %convert_element_type3A_11 {offsets = [2, 0], sizes = [1, 4096], strides = [1, 1]} : vector<3x4096xf32> to vector<1x4096xf32>
    %mul3A_22 = vector.broadcast %slice3A_20 : vector<1024x1xf32> to vector<1024x4096xf32>
    %mul3A_23 = vector.broadcast %slice3A_21 : vector<1x4096xf32> to vector<1024x4096xf32>
    %mul3A_24 = arith.mulf %mul3A_22, %mul3A_23 : vector<1024x4096xf32>
    %add3A_25 = arith.addf %add3A, %mul3A_24 : vector<1024x4096xf32>
    %mul3A_26 = arith.mulf %get3A_3, %get3A_3 : vector<1024x3xf32>
    %reduce_sum3A = arith.constant dense<0.000000e+00> : vector<1024xf32>
    %reduce_sum3A_27 = vector.multi_reduction <add>, %mul3A_26, %reduce_sum3A [1] : vector<1024x3xf32> to vector<1024xf32>
    %broadcast_in_dim3A = vector.shape_cast %reduce_sum3A_27 : vector<1024xf32> to vector<1024x1xf32>
    %mul3A_28 = arith.mulf %get3A_8, %get3A_8 : vector<3x4096xf32>
    %reduce_sum3A_29 = arith.constant dense<0.000000e+00> : vector<4096xf32>
    %reduce_sum3A_30 = vector.multi_reduction <add>, %mul3A_28, %reduce_sum3A_29 [0] : vector<3x4096xf32> to vector<4096xf32>
    %broadcast_in_dim3A_31 = vector.shape_cast %reduce_sum3A_30 : vector<4096xf32> to vector<1x4096xf32>
    %mul3A_32 = arith.constant -2.000000e+00 : f32
    %mul3A_33 = vector.broadcast %mul3A_32 : f32 to vector<1024x4096xf32>
    %mul3A_34 = arith.mulf %mul3A_33, %add3A_25 : vector<1024x4096xf32>
    %add3A_35 = vector.broadcast %broadcast_in_dim3A : vector<1024x1xf32> to vector<1024x4096xf32>
    %add3A_36 = arith.addf %mul3A_34, %add3A_35 : vector<1024x4096xf32>
    %add3A_37 = vector.broadcast %broadcast_in_dim3A_31 : vector<1x4096xf32> to vector<1024x4096xf32>
    %add3A_38 = arith.addf %add3A_36, %add3A_37 : vector<1024x4096xf32>
    %swap3A = arith.constant 0 : index
    %swap3A_39 = arith.constant 0 : index
    %swap3A_40 = vector.load %arg5[%swap3A, %swap3A_39] : memref<1024x4096xf32, #tpu.memory_space<vmem>>, vector<1024x4096xf32>
    tpu.vector_store %arg5[%swap3A, %swap3A_39], %add3A_38 {strides = array<i32>} : memref<1024x4096xf32, #tpu.memory_space<vmem>>, vector<1024x4096xf32>,
    %iota3A = tpu.iota {dimensions = array<i32: 1>} : vector<1024x4096xi32>
    %iota3A_41 = tpu.iota {dimensions = array<i32: 1>} : vector<1024x32xi32>
    %broadcast_in_dim3A_42 = arith.constant 0 : i32
    %broadcast_in_dim3A_43 = vector.broadcast %broadcast_in_dim3A_42 : i32 to vector<1024x32xi32>
    %scan3A = arith.constant 0 : i32
    %scan3A_44 = arith.constant 32 : i32
    %scan3A_45 = arith.addi %scan3A, %scan3A_44 : i32
    %scan3A_46 = arith.constant 1 : i32
    %scan3A_47 = scf.for %scan3A_55 = %scan3A to %scan3A_45 step %scan3A_46 iter_args(%scan3A_56 = %broadcast_in_dim3A_43) -> (vector<1024x32xi32>)  : i32 {
      %get3A_57 = arith.constant 0 : index
      %get3A_58 = arith.constant 0 : index
      %get3A_59 = vector.load %arg5[%get3A_57, %get3A_58] : memref<1024x4096xf32, #tpu.memory_space<vmem>>, vector<1024x4096xf32>
      %reduce_min3A = arith.constant dense<0x7F800000> : vector<1024xf32>
      %reduce_min3A_60 = vector.multi_reduction <minimumf>, %get3A_59, %reduce_min3A [1] : vector<1024x4096xf32> to vector<1024xf32>
      %broadcast_in_dim3A_61 = vector.shape_cast %reduce_min3A_60 : vector<1024xf32> to vector<1024x1xf32>
      %le3A = vector.broadcast %broadcast_in_dim3A_61 : vector<1024x1xf32> to vector<1024x4096xf32>
      %le3A_62 = arith.cmpf ole, %get3A_59, %le3A : vector<1024x4096xf32>
      %jit3A = arith.constant 4096 : i32
      %broadcast_in_dim3A_63 = vector.broadcast %jit3A : i32 to vector<1024x4096xi32>
      %select_n3A = arith.select %le3A_62, %iota3A, %broadcast_in_dim3A_63 : vector<1024x4096xi1>, vector<1024x4096xi32>
      %reduce_min3A_64 = arith.constant dense<2147483647> : vector<1024xi32>
      %reduce_min3A_65 = vector.multi_reduction <minsi>, %select_n3A, %reduce_min3A_64 [1] : vector<1024x4096xi32> to vector<1024xi32>
      %broadcast_in_dim3A_66 = vector.shape_cast %reduce_min3A_65 : vector<1024xi32> to vector<1024x1xi32>
      %eq3A = vector.broadcast %broadcast_in_dim3A_66 : vector<1024x1xi32> to vector<1024x4096xi32>
      %eq3A_67 = arith.cmpi eq, %iota3A, %eq3A : vector<1024x4096xi32>
      %jit3A_68 = arith.constant 3.000000e+38 : f32
      %broadcast_in_dim3A_69 = vector.broadcast %jit3A_68 : f32 to vector<1024x4096xf32>
      %select_n3A_70 = arith.select %eq3A_67, %broadcast_in_dim3A_69, %get3A_59 : vector<1024x4096xi1>, vector<1024x4096xf32>
      %swap3A_71 = arith.constant 0 : index
      %swap3A_72 = arith.constant 0 : index
      %swap3A_73 = vector.load %arg5[%swap3A_71, %swap3A_72] : memref<1024x4096xf32, #tpu.memory_space<vmem>>, vector<1024x4096xf32>
      tpu.vector_store %arg5[%swap3A_71, %swap3A_72], %select_n3A_70 {strides = array<i32>} : memref<1024x4096xf32, #tpu.memory_space<vmem>>, vector<1024x4096xf32>,
      %eq3A_74 = vector.broadcast %scan3A_55 : i32 to vector<1024x32xi32>
      %eq3A_75 = arith.cmpi eq, %iota3A_41, %eq3A_74 : vector<1024x32xi32>
      %broadcast_in_dim3A_76 = vector.shape_cast %broadcast_in_dim3A_66 : vector<1024x1xi32> to vector<1024x1xi32>
      %broadcast_in_dim3A_77 = vector.broadcast %broadcast_in_dim3A_76 : vector<1024x1xi32> to vector<1024x32xi32>
      %select_n3A_78 = arith.select %eq3A_75, %broadcast_in_dim3A_77, %scan3A_56 : vector<1024x32xi1>, vector<1024x32xi32>
      scf.yield %select_n3A_78 : vector<1024x32xi32>
    }
    %scan3A_48 = arith.constant 32 : i32
    %swap3A_49 = arith.constant 0 : index
    %swap3A_50 = arith.constant 0 : index
    %swap3A_51 = arith.constant 0 : index
    %swap3A_52 = vector.load %arg4[%swap3A_49, %swap3A_50, %swap3A_51] : memref<1x1024x32xi32, #tpu.memory_space<vmem>>, vector<1x1024x32xi32>
    %swap3A_53 = vector.shape_cast %swap3A_52 : vector<1x1024x32xi32> to vector<1024x32xi32>
    %swap3A_54 = vector.shape_cast %scan3A_47 : vector<1024x32xi32> to vector<1x1024x32xi32>
    tpu.vector_store %arg4[%swap3A_49, %swap3A_50, %swap3A_51], %swap3A_54 {strides = array<i32>} : memref<1x1024x32xi32, #tpu.memory_space<vmem>>, vector<1x1024x32xi32>,
    return
  }
  func.func @transform_0(%arg0: i32, %arg1: i32) -> (i32, i32, i32) {
    %c0_i32 = arith.constant 0 : i32
    %c0_i32_0 = arith.constant 0 : i32
    return %arg0, %arg1, %c0_i32 : i32, i32, i32
  }
  func.func @transform_1(%arg0: i32, %arg1: i32) -> (i32, i32, i32) {
    %c0_i32 = arith.constant 0 : i32
    %c0_i32_0 = arith.constant 0 : i32
    %c0_i32_1 = arith.constant 0 : i32
    return %arg0, %c0_i32, %c0_i32_0 : i32, i32, i32
  }
  func.func @transform_2(%arg0: i32, %arg1: i32) -> (i32, i32, i32) {
    %c0_i32 = arith.constant 0 : i32
    %c0_i32_0 = arith.constant 0 : i32
    return %arg0, %arg1, %c0_i32 : i32, i32, i32
  }
}

module attributes {stable_mosaic.version = 14 : i64} {
  func.func @_knn_body(%arg0: i32, %arg1: i32, %arg2: memref<1x1024x3xf32, #tpu.memory_space<vmem>>, %arg3: memref<1x3x4096xf32, #tpu.memory_space<vmem>>, %arg4: memref<1x1024x16xi32, #tpu.memory_space<vmem>>, %arg5: memref<1024x4096xf32, #tpu.memory_space<vmem>>) attributes {dimension_semantics = [#tpu.dimension_semantics<arbitrary>, #tpu.dimension_semantics<arbitrary>], iteration_bounds = array<i64: 2, 4>, scalar_prefetch = 0 : i64, scratch_operands = 1 : i64, tpu.core_type = #tpu.core_type<tc>, window_params = [{transform_indices = @transform_0, window_bounds = array<i64: 1, 1024, 3>}, {transform_indices = @transform_1, window_bounds = array<i64: 1, 3, 4096>}, {transform_indices = @transform_2, window_bounds = array<i64: 1, 1024, 16>}]} {
    %get3A = arith.constant 0 : index
    %get3A_0 = arith.constant 0 : index
    %get3A_1 = arith.constant 0 : index
    %get3A_2 = vector.load %arg2[%get3A, %get3A_0, %get3A_1] : memref<1x1024x3xf32, #tpu.memory_space<vmem>>, vector<1x1024x3xf32>
    %get3A_3 = vector.shape_cast %get3A_2 : vector<1x1024x3xf32> to vector<1024x3xf32>
    %get3A_4 = arith.constant 0 : index
    %get3A_5 = arith.constant 0 : index
    %get3A_6 = arith.constant 0 : index
    %get3A_7 = vector.load %arg3[%get3A_4, %get3A_5, %get3A_6] : memref<1x3x4096xf32, #tpu.memory_space<vmem>>, vector<1x3x4096xf32>
    %get3A_8 = vector.shape_cast %get3A_7 : vector<1x3x4096xf32> to vector<3x4096xf32>
    %convert_element_type3A = arith.truncf %get3A_3 : vector<1024x3xf32> to vector<1024x3xbf16>
    %convert_element_type3A_9 = arith.extf %convert_element_type3A : vector<1024x3xbf16> to vector<1024x3xf32>
    %convert_element_type3A_10 = arith.truncf %get3A_8 : vector<3x4096xf32> to vector<3x4096xbf16>
    %convert_element_type3A_11 = arith.extf %convert_element_type3A_10 : vector<3x4096xbf16> to vector<3x4096xf32>
    %slice3A = vector.extract_strided_slice %convert_element_type3A_9 {offsets = [0, 0], sizes = [1024, 1], strides = [1, 1]} : vector<1024x3xf32> to vector<1024x1xf32>
    %slice3A_12 = vector.extract_strided_slice %convert_element_type3A_11 {offsets = [0, 0], sizes = [1, 4096], strides = [1, 1]} : vector<3x4096xf32> to vector<1x4096xf32>
    %mul3A = vector.broadcast %slice3A : vector<1024x1xf32> to vector<1024x4096xf32>
    %mul3A_13 = vector.broadcast %slice3A_12 : vector<1x4096xf32> to vector<1024x4096xf32>
    %mul3A_14 = arith.mulf %mul3A, %mul3A_13 : vector<1024x4096xf32>
    %slice3A_15 = vector.extract_strided_slice %convert_element_type3A_9 {offsets = [0, 1], sizes = [1024, 1], strides = [1, 1]} : vector<1024x3xf32> to vector<1024x1xf32>
    %slice3A_16 = vector.extract_strided_slice %convert_element_type3A_11 {offsets = [1, 0], sizes = [1, 4096], strides = [1, 1]} : vector<3x4096xf32> to vector<1x4096xf32>
    %mul3A_17 = vector.broadcast %slice3A_15 : vector<1024x1xf32> to vector<1024x4096xf32>
    %mul3A_18 = vector.broadcast %slice3A_16 : vector<1x4096xf32> to vector<1024x4096xf32>
    %mul3A_19 = arith.mulf %mul3A_17, %mul3A_18 : vector<1024x4096xf32>
    %add3A = arith.addf %mul3A_14, %mul3A_19 : vector<1024x4096xf32>
    %slice3A_20 = vector.extract_strided_slice %convert_element_type3A_9 {offsets = [0, 2], sizes = [1024, 1], strides = [1, 1]} : vector<1024x3xf32> to vector<1024x1xf32>
    %slice3A_21 = vector.extract_strided_slice %convert_element_type3A_11 {offsets = [2, 0], sizes = [1, 4096], strides = [1, 1]} : vector<3x4096xf32> to vector<1x4096xf32>
    %mul3A_22 = vector.broadcast %slice3A_20 : vector<1024x1xf32> to vector<1024x4096xf32>
    %mul3A_23 = vector.broadcast %slice3A_21 : vector<1x4096xf32> to vector<1024x4096xf32>
    %mul3A_24 = arith.mulf %mul3A_22, %mul3A_23 : vector<1024x4096xf32>
    %add3A_25 = arith.addf %add3A, %mul3A_24 : vector<1024x4096xf32>
    %mul3A_26 = arith.mulf %get3A_3, %get3A_3 : vector<1024x3xf32>
    %reduce_sum3A = arith.constant dense<0.000000e+00> : vector<1024xf32>
    %reduce_sum3A_27 = vector.multi_reduction <add>, %mul3A_26, %reduce_sum3A [1] : vector<1024x3xf32> to vector<1024xf32>
    %broadcast_in_dim3A = vector.shape_cast %reduce_sum3A_27 : vector<1024xf32> to vector<1024x1xf32>
    %mul3A_28 = arith.mulf %get3A_8, %get3A_8 : vector<3x4096xf32>
    %reduce_sum3A_29 = arith.constant dense<0.000000e+00> : vector<4096xf32>
    %reduce_sum3A_30 = vector.multi_reduction <add>, %mul3A_28, %reduce_sum3A_29 [0] : vector<3x4096xf32> to vector<4096xf32>
    %broadcast_in_dim3A_31 = vector.shape_cast %reduce_sum3A_30 : vector<4096xf32> to vector<1x4096xf32>
    %mul3A_32 = arith.constant -2.000000e+00 : f32
    %mul3A_33 = vector.broadcast %mul3A_32 : f32 to vector<1024x4096xf32>
    %mul3A_34 = arith.mulf %mul3A_33, %add3A_25 : vector<1024x4096xf32>
    %add3A_35 = vector.broadcast %broadcast_in_dim3A : vector<1024x1xf32> to vector<1024x4096xf32>
    %add3A_36 = arith.addf %mul3A_34, %add3A_35 : vector<1024x4096xf32>
    %add3A_37 = vector.broadcast %broadcast_in_dim3A_31 : vector<1x4096xf32> to vector<1024x4096xf32>
    %add3A_38 = arith.addf %add3A_36, %add3A_37 : vector<1024x4096xf32>
    %swap3A = arith.constant 0 : index
    %swap3A_39 = arith.constant 0 : index
    %swap3A_40 = vector.load %arg5[%swap3A, %swap3A_39] : memref<1024x4096xf32, #tpu.memory_space<vmem>>, vector<1024x4096xf32>
    tpu.vector_store %arg5[%swap3A, %swap3A_39], %add3A_38 {strides = array<i32>} : memref<1024x4096xf32, #tpu.memory_space<vmem>>, vector<1024x4096xf32>,
    %iota3A = tpu.iota {dimensions = array<i32: 1>} : vector<1024x4096xi32>
    %iota3A_41 = tpu.iota {dimensions = array<i32: 1>} : vector<1024x16xi32>
    %broadcast_in_dim3A_42 = arith.constant 0 : i32
    %broadcast_in_dim3A_43 = vector.broadcast %broadcast_in_dim3A_42 : i32 to vector<1024x16xi32>
    %scan3A = arith.constant 0 : i32
    %scan3A_44 = arith.constant 16 : i32
    %scan3A_45 = arith.addi %scan3A, %scan3A_44 : i32
    %scan3A_46 = arith.constant 1 : i32
    %scan3A_47 = scf.for %scan3A_55 = %scan3A to %scan3A_45 step %scan3A_46 iter_args(%scan3A_56 = %broadcast_in_dim3A_43) -> (vector<1024x16xi32>)  : i32 {
      %get3A_57 = arith.constant 0 : index
      %get3A_58 = arith.constant 0 : index
      %get3A_59 = vector.load %arg5[%get3A_57, %get3A_58] : memref<1024x4096xf32, #tpu.memory_space<vmem>>, vector<1024x4096xf32>
      %reduce_min3A = arith.constant dense<0x7F800000> : vector<1024xf32>
      %reduce_min3A_60 = vector.multi_reduction <minimumf>, %get3A_59, %reduce_min3A [1] : vector<1024x4096xf32> to vector<1024xf32>
      %broadcast_in_dim3A_61 = vector.shape_cast %reduce_min3A_60 : vector<1024xf32> to vector<1024x1xf32>
      %le3A = vector.broadcast %broadcast_in_dim3A_61 : vector<1024x1xf32> to vector<1024x4096xf32>
      %le3A_62 = arith.cmpf ole, %get3A_59, %le3A : vector<1024x4096xf32>
      %jit3A = arith.constant 4096 : i32
      %broadcast_in_dim3A_63 = vector.broadcast %jit3A : i32 to vector<1024x4096xi32>
      %select_n3A = arith.select %le3A_62, %iota3A, %broadcast_in_dim3A_63 : vector<1024x4096xi1>, vector<1024x4096xi32>
      %reduce_min3A_64 = arith.constant dense<2147483647> : vector<1024xi32>
      %reduce_min3A_65 = vector.multi_reduction <minsi>, %select_n3A, %reduce_min3A_64 [1] : vector<1024x4096xi32> to vector<1024xi32>
      %broadcast_in_dim3A_66 = vector.shape_cast %reduce_min3A_65 : vector<1024xi32> to vector<1024x1xi32>
      %eq3A = vector.broadcast %broadcast_in_dim3A_66 : vector<1024x1xi32> to vector<1024x4096xi32>
      %eq3A_67 = arith.cmpi eq, %iota3A, %eq3A : vector<1024x4096xi32>
      %jit3A_68 = arith.constant 3.000000e+38 : f32
      %broadcast_in_dim3A_69 = vector.broadcast %jit3A_68 : f32 to vector<1024x4096xf32>
      %select_n3A_70 = arith.select %eq3A_67, %broadcast_in_dim3A_69, %get3A_59 : vector<1024x4096xi1>, vector<1024x4096xf32>
      %swap3A_71 = arith.constant 0 : index
      %swap3A_72 = arith.constant 0 : index
      %swap3A_73 = vector.load %arg5[%swap3A_71, %swap3A_72] : memref<1024x4096xf32, #tpu.memory_space<vmem>>, vector<1024x4096xf32>
      tpu.vector_store %arg5[%swap3A_71, %swap3A_72], %select_n3A_70 {strides = array<i32>} : memref<1024x4096xf32, #tpu.memory_space<vmem>>, vector<1024x4096xf32>,
      %eq3A_74 = vector.broadcast %scan3A_55 : i32 to vector<1024x16xi32>
      %eq3A_75 = arith.cmpi eq, %iota3A_41, %eq3A_74 : vector<1024x16xi32>
      %broadcast_in_dim3A_76 = vector.shape_cast %broadcast_in_dim3A_66 : vector<1024x1xi32> to vector<1024x1xi32>
      %broadcast_in_dim3A_77 = vector.broadcast %broadcast_in_dim3A_76 : vector<1024x1xi32> to vector<1024x16xi32>
      %select_n3A_78 = arith.select %eq3A_75, %broadcast_in_dim3A_77, %scan3A_56 : vector<1024x16xi1>, vector<1024x16xi32>
      scf.yield %select_n3A_78 : vector<1024x16xi32>
    }
    %scan3A_48 = arith.constant 16 : i32
    %swap3A_49 = arith.constant 0 : index
    %swap3A_50 = arith.constant 0 : index
    %swap3A_51 = arith.constant 0 : index
    %swap3A_52 = vector.load %arg4[%swap3A_49, %swap3A_50, %swap3A_51] : memref<1x1024x16xi32, #tpu.memory_space<vmem>>, vector<1x1024x16xi32>
    %swap3A_53 = vector.shape_cast %swap3A_52 : vector<1x1024x16xi32> to vector<1024x16xi32>
    %swap3A_54 = vector.shape_cast %scan3A_47 : vector<1024x16xi32> to vector<1x1024x16xi32>
    tpu.vector_store %arg4[%swap3A_49, %swap3A_50, %swap3A_51], %swap3A_54 {strides = array<i32>} : memref<1x1024x16xi32, #tpu.memory_space<vmem>>, vector<1x1024x16xi32>,
    return
  }
  func.func @transform_0(%arg0: i32, %arg1: i32) -> (i32, i32, i32) {
    %c0_i32 = arith.constant 0 : i32
    %c0_i32_0 = arith.constant 0 : i32
    return %arg0, %arg1, %c0_i32 : i32, i32, i32
  }
  func.func @transform_1(%arg0: i32, %arg1: i32) -> (i32, i32, i32) {
    %c0_i32 = arith.constant 0 : i32
    %c0_i32_0 = arith.constant 0 : i32
    %c0_i32_1 = arith.constant 0 : i32
    return %arg0, %c0_i32, %c0_i32_0 : i32, i32, i32
  }
  func.func @transform_2(%arg0: i32, %arg1: i32) -> (i32, i32, i32) {
    %c0_i32 = arith.constant 0 : i32
    %c0_i32_0 = arith.constant 0 : i32
    return %arg0, %arg1, %c0_i32 : i32, i32, i32
  }
}

module attributes {stable_mosaic.version = 14 : i64} {
  func.func @_mm_body(%arg0: i32, %arg1: memref<8192x67xf32, #tpu.memory_space<vmem>>, %arg2: memref<1x67xf32, #tpu.memory_space<vmem>>, %arg3: memref<1x67xf32, #tpu.memory_space<vmem>>, %arg4: memref<67x384xf32, #tpu.memory_space<vmem>>, %arg5: memref<1x384xf32, #tpu.memory_space<vmem>>, %arg6: memref<8192x384xf32, #tpu.memory_space<vmem>>, %arg7: memref<2x384xf32, #tpu.memory_space<vmem>>) attributes {dimension_semantics = [#tpu.dimension_semantics<arbitrary>], iteration_bounds = array<i64: 1>, scalar_prefetch = 0 : i64, scratch_operands = 0 : i64, tpu.core_type = #tpu.core_type<tc>, window_params = [{transform_indices = @transform_0, window_bounds = array<i64: 8192, 67>}, {pipeline_mode = #tpu.pipeline_mode<synchronous>, transform_indices = @transform_1, window_bounds = array<i64: 1, 67>}, {pipeline_mode = #tpu.pipeline_mode<synchronous>, transform_indices = @transform_2, window_bounds = array<i64: 1, 67>}, {pipeline_mode = #tpu.pipeline_mode<synchronous>, transform_indices = @transform_3, window_bounds = array<i64: 67, 384>}, {pipeline_mode = #tpu.pipeline_mode<synchronous>, transform_indices = @transform_4, window_bounds = array<i64: 1, 384>}, {transform_indices = @transform_5, window_bounds = array<i64: 8192, 384>}, {pipeline_mode = #tpu.pipeline_mode<synchronous>, transform_indices = @transform_6, window_bounds = array<i64: 2, 384>}]} {
    %get3A = arith.constant 0 : index
    %get3A_0 = arith.constant 0 : index
    %get3A_1 = vector.load %arg1[%get3A, %get3A_0] : memref<8192x67xf32, #tpu.memory_space<vmem>>, vector<8192x67xf32>
    %get3A_2 = arith.constant 0 : index
    %get3A_3 = arith.constant 0 : index
    %get3A_4 = vector.load %arg4[%get3A_2, %get3A_3] : memref<67x384xf32, #tpu.memory_space<vmem>>, vector<67x384xf32>
    %convert_element_type3A = arith.truncf %get3A_1 : vector<8192x67xf32> to vector<8192x67xbf16>
    %convert_element_type3A_5 = arith.truncf %get3A_4 : vector<67x384xf32> to vector<67x384xbf16>
    %dot_general3A = arith.constant dense<0.000000e+00> : vector<8192x384xf32>
    %dot_general3A_6 = tpu.matmul %convert_element_type3A, %convert_element_type3A_5, %dot_general3A {dimension_numbers = #tpu.dot_dimension_numbers<[1], [0], [0], [1], [0, 0, 1, 1], [], []>, transpose_lhs_hint = false} : vector<8192x67xbf16>, vector<67x384xbf16>, vector<8192x384xf32> -> vector<8192x384xf32>
    %get3A_7 = arith.constant 0 : index
    %get3A_8 = arith.constant 0 : index
    %get3A_9 = vector.load %arg5[%get3A_7, %get3A_8] : memref<1x384xf32, #tpu.memory_space<vmem>>, vector<1x384xf32>
    %add3A = vector.broadcast %get3A_9 : vector<1x384xf32> to vector<8192x384xf32>
    %add3A_10 = arith.addf %dot_general3A_6, %add3A : vector<8192x384xf32>
    %swap3A = arith.constant 0 : index
    %swap3A_11 = arith.constant 0 : index
    %swap3A_12 = vector.load %arg6[%swap3A, %swap3A_11] : memref<8192x384xf32, #tpu.memory_space<vmem>>, vector<8192x384xf32>
    tpu.vector_store %arg6[%swap3A, %swap3A_11], %add3A_10 {strides = array<i32>} : memref<8192x384xf32, #tpu.memory_space<vmem>>, vector<8192x384xf32>,
    %eq3A = arith.constant 0 : i32
    %eq3A_13 = arith.cmpi eq, %arg0, %eq3A : i32
    %convert_element_type3A_14 = arith.extui %eq3A_13 : i1 to i32
    %cond3A = arith.constant 0 : i32
    %cond3A_15 = arith.cmpi ne, %convert_element_type3A_14, %cond3A : i32
    scf.if %cond3A_15 {
      %broadcast_in_dim3A_27 = arith.constant 0.000000e+00 : f32
      %broadcast_in_dim3A_28 = vector.broadcast %broadcast_in_dim3A_27 : f32 to vector<2x384xf32>
      %swap3A_29 = arith.constant 0 : index
      %swap3A_30 = arith.constant 0 : index
      %swap3A_31 = vector.load %arg7[%swap3A_29, %swap3A_30] : memref<2x384xf32, #tpu.memory_space<vmem>>, vector<2x384xf32>
      tpu.vector_store %arg7[%swap3A_29, %swap3A_30], %broadcast_in_dim3A_28 {strides = array<i32>} : memref<2x384xf32, #tpu.memory_space<vmem>>, vector<2x384xf32>,
    } else {
    }
    %get3A_16 = arith.constant 0 : index
    %get3A_17 = arith.constant 0 : index
    %get3A_18 = vector.load %arg7[%get3A_16, %get3A_17] : memref<2x384xf32, #tpu.memory_space<vmem>>, vector<2x384xf32>
    %reduce_sum3A = arith.constant dense<0.000000e+00> : vector<384xf32>
    %reduce_sum3A_19 = vector.multi_reduction <add>, %add3A_10, %reduce_sum3A [0] : vector<8192x384xf32> to vector<384xf32>
    %broadcast_in_dim3A = vector.shape_cast %reduce_sum3A_19 : vector<384xf32> to vector<1x384xf32>
    %mul3A = arith.mulf %add3A_10, %add3A_10 : vector<8192x384xf32>
    %reduce_sum3A_20 = arith.constant dense<0.000000e+00> : vector<384xf32>
    %reduce_sum3A_21 = vector.multi_reduction <add>, %mul3A, %reduce_sum3A_20 [0] : vector<8192x384xf32> to vector<384xf32>
    %broadcast_in_dim3A_22 = vector.shape_cast %reduce_sum3A_21 : vector<384xf32> to vector<1x384xf32>
    %concatenate3A = tpu.concatenate %broadcast_in_dim3A, %broadcast_in_dim3A_22 in 0 : vector<1x384xf32>, vector<1x384xf32> -> vector<2x384xf32>
    %add3A_23 = arith.addf %get3A_18, %concatenate3A : vector<2x384xf32>
    %swap3A_24 = arith.constant 0 : index
    %swap3A_25 = arith.constant 0 : index
    %swap3A_26 = vector.load %arg7[%swap3A_24, %swap3A_25] : memref<2x384xf32, #tpu.memory_space<vmem>>, vector<2x384xf32>
    tpu.vector_store %arg7[%swap3A_24, %swap3A_25], %add3A_23 {strides = array<i32>} : memref<2x384xf32, #tpu.memory_space<vmem>>, vector<2x384xf32>,
    return
  }
  func.func @transform_0(%arg0: i32) -> (i32, i32) {
    %c0_i32 = arith.constant 0 : i32
    %c0_i32_0 = arith.constant 0 : i32
    return %arg0, %c0_i32 : i32, i32
  }
  func.func @transform_1(%arg0: i32) -> (i32, i32) {
    %c0_i32 = arith.constant 0 : i32
    %c0_i32_0 = arith.constant 0 : i32
    %c0_i32_1 = arith.constant 0 : i32
    return %c0_i32, %c0_i32_0 : i32, i32
  }
  func.func @transform_2(%arg0: i32) -> (i32, i32) {
    %c0_i32 = arith.constant 0 : i32
    %c0_i32_0 = arith.constant 0 : i32
    %c0_i32_1 = arith.constant 0 : i32
    return %c0_i32, %c0_i32_0 : i32, i32
  }
  func.func @transform_3(%arg0: i32) -> (i32, i32) {
    %c0_i32 = arith.constant 0 : i32
    %c0_i32_0 = arith.constant 0 : i32
    %c0_i32_1 = arith.constant 0 : i32
    return %c0_i32, %c0_i32_0 : i32, i32
  }
  func.func @transform_4(%arg0: i32) -> (i32, i32) {
    %c0_i32 = arith.constant 0 : i32
    %c0_i32_0 = arith.constant 0 : i32
    %c0_i32_1 = arith.constant 0 : i32
    return %c0_i32, %c0_i32_0 : i32, i32
  }
  func.func @transform_5(%arg0: i32) -> (i32, i32) {
    %c0_i32 = arith.constant 0 : i32
    %c0_i32_0 = arith.constant 0 : i32
    return %arg0, %c0_i32 : i32, i32
  }
  func.func @transform_6(%arg0: i32) -> (i32, i32) {
    %c0_i32 = arith.constant 0 : i32
    %c0_i32_0 = arith.constant 0 : i32
    %c0_i32_1 = arith.constant 0 : i32
    return %c0_i32, %c0_i32_0 : i32, i32
  }
}

module attributes {stable_mosaic.version = 14 : i64} {
  func.func @_feat_body(%arg0: i32, %arg1: memref<256x32x128xf32, #tpu.memory_space<vmem>>, %arg2: memref<256x3xf32, #tpu.memory_space<vmem>>, %arg3: memref<256x128xf32, #tpu.memory_space<vmem>>, %arg4: memref<256x64xf32, #tpu.memory_space<vmem>>, %arg5: memref<128x128xf32, #tpu.memory_space<vmem>>, %arg6: memref<1x128xf32, #tpu.memory_space<vmem>>, %arg7: memref<128x64xf32, #tpu.memory_space<vmem>>, %arg8: memref<1x64xf32, #tpu.memory_space<vmem>>, %arg9: memref<256x32x128xbf16, #tpu.memory_space<vmem>>, %arg10: memref<256x32x64xbf16, #tpu.memory_space<vmem>>, %arg11: memref<2x128xf32, #tpu.memory_space<vmem>>, %arg12: memref<2x64xf32, #tpu.memory_space<vmem>>) attributes {dimension_semantics = [#tpu.dimension_semantics<arbitrary>], iteration_bounds = array<i64: 32>, scalar_prefetch = 0 : i64, scratch_operands = 0 : i64, tpu.core_type = #tpu.core_type<tc>, window_params = [{transform_indices = @transform_0, window_bounds = array<i64: 256, 32, 128>}, {transform_indices = @transform_1, window_bounds = array<i64: 256, 3>}, {transform_indices = @transform_2, window_bounds = array<i64: 256, 128>}, {transform_indices = @transform_3, window_bounds = array<i64: 256, 64>}, {pipeline_mode = #tpu.pipeline_mode<synchronous>, transform_indices = @transform_4, window_bounds = array<i64: 128, 128>}, {pipeline_mode = #tpu.pipeline_mode<synchronous>, transform_indices = @transform_5, window_bounds = array<i64: 1, 128>}, {pipeline_mode = #tpu.pipeline_mode<synchronous>, transform_indices = @transform_6, window_bounds = array<i64: 128, 64>}, {pipeline_mode = #tpu.pipeline_mode<synchronous>, transform_indices = @transform_7, window_bounds = array<i64: 1, 64>}, {transform_indices = @transform_8, window_bounds = array<i64: 256, 32, 128>}, {transform_indices = @transform_9, window_bounds = array<i64: 256, 32, 64>}, {pipeline_mode = #tpu.pipeline_mode<synchronous>, transform_indices = @transform_10, window_bounds = array<i64: 2, 128>}, {pipeline_mode = #tpu.pipeline_mode<synchronous>, transform_indices = @transform_11, window_bounds = array<i64: 2, 64>}]} {
    %get3A = arith.constant 0 : index
    %get3A_0 = arith.constant 0 : index
    %get3A_1 = arith.constant 0 : index
    %get3A_2 = vector.load %arg1[%get3A, %get3A_0, %get3A_1] : memref<256x32x128xf32, #tpu.memory_space<vmem>>, vector<256x32x128xf32>
    %slice3A = vector.extract_strided_slice %get3A_2 {offsets = [0, 0, 0], sizes = [256, 32, 3], strides = [1, 1, 1]} : vector<256x32x128xf32> to vector<256x32x3xf32>
    %get3A_3 = arith.constant 0 : index
    %get3A_4 = arith.constant 0 : index
    %get3A_5 = vector.load %arg2[%get3A_3, %get3A_4] : memref<256x3xf32, #tpu.memory_space<vmem>>, vector<256x3xf32>
    %broadcast_in_dim3A = vector.shape_cast %get3A_5 : vector<256x3xf32> to vector<256x1x3xf32>
    %sub3A = vector.broadcast %broadcast_in_dim3A : vector<256x1x3xf32> to vector<256x32x3xf32>
    %sub3A_6 = arith.subf %slice3A, %sub3A : vector<256x32x3xf32>
    %mul3A = arith.mulf %sub3A_6, %sub3A_6 : vector<256x32x3xf32>
    %reduce_sum3A = arith.constant dense<0.000000e+00> : vector<256x32xf32>
    %reduce_sum3A_7 = vector.multi_reduction <add>, %mul3A, %reduce_sum3A [2] : vector<256x32x3xf32> to vector<256x32xf32>
    %broadcast_in_dim3A_8 = vector.shape_cast %reduce_sum3A_7 : vector<256x32xf32> to vector<256x32x1xf32>
    %add3A = arith.constant 9.99999968E-21 : f32
    %add3A_9 = vector.broadcast %add3A : f32 to vector<256x32x1xf32>
    %add3A_10 = arith.addf %broadcast_in_dim3A_8, %add3A_9 : vector<256x32x1xf32>
    %sqrt3A = math.sqrt %add3A_10 : vector<256x32x1xf32>
    %reshape3A = vector.shape_cast %get3A_2 : vector<256x32x128xf32> to vector<8192x128xf32>
    %reshape3A_11 = vector.shape_cast %sqrt3A : vector<256x32x1xf32> to vector<8192x1xf32>
    %get3A_12 = arith.constant 0 : index
    %get3A_13 = arith.constant 0 : index
    %get3A_14 = vector.load %arg5[%get3A_12, %get3A_13] : memref<128x128xf32, #tpu.memory_space<vmem>>, vector<128x128xf32>
    %convert_element_type3A = arith.truncf %reshape3A : vector<8192x128xf32> to vector<8192x128xbf16>
    %convert_element_type3A_15 = arith.truncf %get3A_14 : vector<128x128xf32> to vector<128x128xbf16>
    %dot_general3A = arith.constant dense<0.000000e+00> : vector<8192x128xf32>
    %dot_general3A_16 = tpu.matmul %convert_element_type3A, %convert_element_type3A_15, %dot_general3A {dimension_numbers = #tpu.dot_dimension_numbers<[1], [0], [0], [1], [0, 0, 1, 1], [], []>, transpose_lhs_hint = false} : vector<8192x128xbf16>, vector<128x128xbf16>, vector<8192x128xf32> -> vector<8192x128xf32>
    %get3A_17 = arith.constant 0 : index
    %get3A_18 = arith.constant 0 : index
    %get3A_19 = vector.load %arg6[%get3A_17, %get3A_18] : memref<1x128xf32, #tpu.memory_space<vmem>>, vector<1x128xf32>
    %mul3A_20 = vector.broadcast %reshape3A_11 : vector<8192x1xf32> to vector<8192x128xf32>
    %mul3A_21 = vector.broadcast %get3A_19 : vector<1x128xf32> to vector<8192x128xf32>
    %mul3A_22 = arith.mulf %mul3A_20, %mul3A_21 : vector<8192x128xf32>
    %add3A_23 = arith.addf %dot_general3A_16, %mul3A_22 : vector<8192x128xf32>
    %get3A_24 = arith.constant 0 : index
    %get3A_25 = arith.constant 0 : index
    %get3A_26 = vector.load %arg7[%get3A_24, %get3A_25] : memref<128x64xf32, #tpu.memory_space<vmem>>, vector<128x64xf32>
    %convert_element_type3A_27 = arith.truncf %reshape3A : vector<8192x128xf32> to vector<8192x128xbf16>
    %convert_element_type3A_28 = arith.truncf %get3A_26 : vector<128x64xf32> to vector<128x64xbf16>
    %dot_general3A_29 = arith.constant dense<0.000000e+00> : vector<8192x64xf32>
    %dot_general3A_30 = tpu.matmul %convert_element_type3A_27, %convert_element_type3A_28, %dot_general3A_29 {dimension_numbers = #tpu.dot_dimension_numbers<[1], [0], [0], [1], [0, 0, 1, 1], [], []>, transpose_lhs_hint = false} : vector<8192x128xbf16>, vector<128x64xbf16>, vector<8192x64xf32> -> vector<8192x64xf32>
    %get3A_31 = arith.constant 0 : index
    %get3A_32 = arith.constant 0 : index
    %get3A_33 = vector.load %arg8[%get3A_31, %get3A_32] : memref<1x64xf32, #tpu.memory_space<vmem>>, vector<1x64xf32>
    %mul3A_34 = vector.broadcast %reshape3A_11 : vector<8192x1xf32> to vector<8192x64xf32>
    %mul3A_35 = vector.broadcast %get3A_33 : vector<1x64xf32> to vector<8192x64xf32>
    %mul3A_36 = arith.mulf %mul3A_34, %mul3A_35 : vector<8192x64xf32>
    %add3A_37 = arith.addf %dot_general3A_30, %mul3A_36 : vector<8192x64xf32>
    %reshape3A_38 = vector.shape_cast %add3A_23 : vector<8192x128xf32> to vector<256x32x128xf32>
    %get3A_39 = arith.constant 0 : index
    %get3A_40 = arith.constant 0 : index
    %get3A_41 = vector.load %arg3[%get3A_39, %get3A_40] : memref<256x128xf32, #tpu.memory_space<vmem>>, vector<256x128xf32>
    %broadcast_in_dim3A_42 = vector.shape_cast %get3A_41 : vector<256x128xf32> to vector<256x1x128xf32>
    %add3A_43 = vector.broadcast %broadcast_in_dim3A_42 : vector<256x1x128xf32> to vector<256x32x128xf32>
    %add3A_44 = arith.addf %reshape3A_38, %add3A_43 : vector<256x32x128xf32>
    %reshape3A_45 = vector.shape_cast %add3A_37 : vector<8192x64xf32> to vector<256x32x64xf32>
    %get3A_46 = arith.constant 0 : index
    %get3A_47 = arith.constant 0 : index
    %get3A_48 = vector.load %arg4[%get3A_46, %get3A_47] : memref<256x64xf32, #tpu.memory_space<vmem>>, vector<256x64xf32>
    %broadcast_in_dim3A_49 = vector.shape_cast %get3A_48 : vector<256x64xf32> to vector<256x1x64xf32>
    %add3A_50 = vector.broadcast %broadcast_in_dim3A_49 : vector<256x1x64xf32> to vector<256x32x64xf32>
    %add3A_51 = arith.addf %reshape3A_45, %add3A_50 : vector<256x32x64xf32>
    %convert_element_type3A_52 = arith.truncf %add3A_44 : vector<256x32x128xf32> to vector<256x32x128xbf16>
    %swap3A = arith.constant 0 : index
    %swap3A_53 = arith.constant 0 : index
    %swap3A_54 = arith.constant 0 : index
    %swap3A_55 = vector.load %arg9[%swap3A, %swap3A_53, %swap3A_54] : memref<256x32x128xbf16, #tpu.memory_space<vmem>>, vector<256x32x128xbf16>
    tpu.vector_store %arg9[%swap3A, %swap3A_53, %swap3A_54], %convert_element_type3A_52 {strides = array<i32>} : memref<256x32x128xbf16, #tpu.memory_space<vmem>>, vector<256x32x128xbf16>,
    %convert_element_type3A_56 = arith.truncf %add3A_51 : vector<256x32x64xf32> to vector<256x32x64xbf16>
    %swap3A_57 = arith.constant 0 : index
    %swap3A_58 = arith.constant 0 : index
    %swap3A_59 = arith.constant 0 : index
    %swap3A_60 = vector.load %arg10[%swap3A_57, %swap3A_58, %swap3A_59] : memref<256x32x64xbf16, #tpu.memory_space<vmem>>, vector<256x32x64xbf16>
    tpu.vector_store %arg10[%swap3A_57, %swap3A_58, %swap3A_59], %convert_element_type3A_56 {strides = array<i32>} : memref<256x32x64xbf16, #tpu.memory_space<vmem>>, vector<256x32x64xbf16>,
    %eq3A = arith.constant 0 : i32
    %eq3A_61 = arith.cmpi eq, %arg0, %eq3A : i32
    %convert_element_type3A_62 = arith.extui %eq3A_61 : i1 to i32
    %cond3A = arith.constant 0 : i32
    %cond3A_63 = arith.cmpi ne, %convert_element_type3A_62, %cond3A : i32
    scf.if %cond3A_63 {
      %broadcast_in_dim3A_95 = arith.constant 0.000000e+00 : f32
      %broadcast_in_dim3A_96 = vector.broadcast %broadcast_in_dim3A_95 : f32 to vector<2x128xf32>
      %swap3A_97 = arith.constant 0 : index
      %swap3A_98 = arith.constant 0 : index
      %swap3A_99 = vector.load %arg11[%swap3A_97, %swap3A_98] : memref<2x128xf32, #tpu.memory_space<vmem>>, vector<2x128xf32>
      tpu.vector_store %arg11[%swap3A_97, %swap3A_98], %broadcast_in_dim3A_96 {strides = array<i32>} : memref<2x128xf32, #tpu.memory_space<vmem>>, vector<2x128xf32>,
      %broadcast_in_dim3A_100 = arith.constant 0.000000e+00 : f32
      %broadcast_in_dim3A_101 = vector.broadcast %broadcast_in_dim3A_100 : f32 to vector<2x64xf32>
      %swap3A_102 = arith.constant 0 : index
      %swap3A_103 = arith.constant 0 : index
      %swap3A_104 = vector.load %arg12[%swap3A_102, %swap3A_103] : memref<2x64xf32, #tpu.memory_space<vmem>>, vector<2x64xf32>
      tpu.vector_store %arg12[%swap3A_102, %swap3A_103], %broadcast_in_dim3A_101 {strides = array<i32>} : memref<2x64xf32, #tpu.memory_space<vmem>>, vector<2x64xf32>,
    } else {
    }
    %reshape3A_64 = vector.shape_cast %add3A_44 : vector<256x32x128xf32> to vector<8192x128xf32>
    %reshape3A_65 = vector.shape_cast %add3A_51 : vector<256x32x64xf32> to vector<8192x64xf32>
    %get3A_66 = arith.constant 0 : index
    %get3A_67 = arith.constant 0 : index
    %get3A_68 = vector.load %arg11[%get3A_66, %get3A_67] : memref<2x128xf32, #tpu.memory_space<vmem>>, vector<2x128xf32>
    %reduce_sum3A_69 = arith.constant dense<0.000000e+00> : vector<128xf32>
    %reduce_sum3A_70 = vector.multi_reduction <add>, %reshape3A_64, %reduce_sum3A_69 [0] : vector<8192x128xf32> to vector<128xf32>
    %broadcast_in_dim3A_71 = vector.shape_cast %reduce_sum3A_70 : vector<128xf32> to vector<1x128xf32>
    %mul3A_72 = arith.mulf %reshape3A_64, %reshape3A_64 : vector<8192x128xf32>
    %reduce_sum3A_73 = arith.constant dense<0.000000e+00> : vector<128xf32>
    %reduce_sum3A_74 = vector.multi_reduction <add>, %mul3A_72, %reduce_sum3A_73 [0] : vector<8192x128xf32> to vector<128xf32>
    %broadcast_in_dim3A_75 = vector.shape_cast %reduce_sum3A_74 : vector<128xf32> to vector<1x128xf32>
    %concatenate3A = tpu.concatenate %broadcast_in_dim3A_71, %broadcast_in_dim3A_75 in 0 : vector<1x128xf32>, vector<1x128xf32> -> vector<2x128xf32>
    %add3A_76 = arith.addf %get3A_68, %concatenate3A : vector<2x128xf32>
    %swap3A_77 = arith.constant 0 : index
    %swap3A_78 = arith.constant 0 : index
    %swap3A_79 = vector.load %arg11[%swap3A_77, %swap3A_78] : memref<2x128xf32, #tpu.memory_space<vmem>>, vector<2x128xf32>
    tpu.vector_store %arg11[%swap3A_77, %swap3A_78], %add3A_76 {strides = array<i32>} : memref<2x128xf32, #tpu.memory_space<vmem>>, vector<2x128xf32>,
    %get3A_80 = arith.constant 0 : index
    %get3A_81 = arith.constant 0 : index
    %get3A_82 = vector.load %arg12[%get3A_80, %get3A_81] : memref<2x64xf32, #tpu.memory_space<vmem>>, vector<2x64xf32>
    %reduce_sum3A_83 = arith.constant dense<0.000000e+00> : vector<64xf32>
    %reduce_sum3A_84 = vector.multi_reduction <add>, %reshape3A_65, %reduce_sum3A_83 [0] : vector<8192x64xf32> to vector<64xf32>
    %broadcast_in_dim3A_85 = vector.shape_cast %reduce_sum3A_84 : vector<64xf32> to vector<1x64xf32>
    %mul3A_86 = arith.mulf %reshape3A_65, %reshape3A_65 : vector<8192x64xf32>
    %reduce_sum3A_87 = arith.constant dense<0.000000e+00> : vector<64xf32>
    %reduce_sum3A_88 = vector.multi_reduction <add>, %mul3A_86, %reduce_sum3A_87 [0] : vector<8192x64xf32> to vector<64xf32>
    %broadcast_in_dim3A_89 = vector.shape_cast %reduce_sum3A_88 : vector<64xf32> to vector<1x64xf32>
    %concatenate3A_90 = tpu.concatenate %broadcast_in_dim3A_85, %broadcast_in_dim3A_89 in 0 : vector<1x64xf32>, vector<1x64xf32> -> vector<2x64xf32>
    %add3A_91 = arith.addf %get3A_82, %concatenate3A_90 : vector<2x64xf32>
    %swap3A_92 = arith.constant 0 : index
    %swap3A_93 = arith.constant 0 : index
    %swap3A_94 = vector.load %arg12[%swap3A_92, %swap3A_93] : memref<2x64xf32, #tpu.memory_space<vmem>>, vector<2x64xf32>
    tpu.vector_store %arg12[%swap3A_92, %swap3A_93], %add3A_91 {strides = array<i32>} : memref<2x64xf32, #tpu.memory_space<vmem>>, vector<2x64xf32>,
    return
  }
  func.func @transform_0(%arg0: i32) -> (i32, i32, i32) {
    %c0_i32 = arith.constant 0 : i32
    %c0_i32_0 = arith.constant 0 : i32
    %c0_i32_1 = arith.constant 0 : i32
    return %arg0, %c0_i32, %c0_i32_0 : i32, i32, i32
  }
  func.func @transform_1(%arg0: i32) -> (i32, i32) {
    %c0_i32 = arith.constant 0 : i32
    %c0_i32_0 = arith.constant 0 : i32
    return %arg0, %c0_i32 : i32, i32
  }
  func.func @transform_2(%arg0: i32) -> (i32, i32) {
    %c0_i32 = arith.constant 0 : i32
    %c0_i32_0 = arith.constant 0 : i32
    return %arg0, %c0_i32 : i32, i32
  }
  func.func @transform_3(%arg0: i32) -> (i32, i32) {
    %c0_i32 = arith.constant 0 : i32
    %c0_i32_0 = arith.constant 0 : i32
    return %arg0, %c0_i32 : i32, i32
  }
  func.func @transform_4(%arg0: i32) -> (i32, i32) {
    %c0_i32 = arith.constant 0 : i32
    %c0_i32_0 = arith.constant 0 : i32
    %c0_i32_1 = arith.constant 0 : i32
    return %c0_i32, %c0_i32_0 : i32, i32
  }
  func.func @transform_5(%arg0: i32) -> (i32, i32) {
    %c0_i32 = arith.constant 0 : i32
    %c0_i32_0 = arith.constant 0 : i32
    %c0_i32_1 = arith.constant 0 : i32
    return %c0_i32, %c0_i32_0 : i32, i32
  }
  func.func @transform_6(%arg0: i32) -> (i32, i32) {
    %c0_i32 = arith.constant 0 : i32
    %c0_i32_0 = arith.constant 0 : i32
    %c0_i32_1 = arith.constant 0 : i32
    return %c0_i32, %c0_i32_0 : i32, i32
  }
  func.func @transform_7(%arg0: i32) -> (i32, i32) {
    %c0_i32 = arith.constant 0 : i32
    %c0_i32_0 = arith.constant 0 : i32
    %c0_i32_1 = arith.constant 0 : i32
    return %c0_i32, %c0_i32_0 : i32, i32
  }
  func.func @transform_8(%arg0: i32) -> (i32, i32, i32) {
    %c0_i32 = arith.constant 0 : i32
    %c0_i32_0 = arith.constant 0 : i32
    %c0_i32_1 = arith.constant 0 : i32
    return %arg0, %c0_i32, %c0_i32_0 : i32, i32, i32
  }
  func.func @transform_9(%arg0: i32) -> (i32, i32, i32) {
    %c0_i32 = arith.constant 0 : i32
    %c0_i32_0 = arith.constant 0 : i32
    %c0_i32_1 = arith.constant 0 : i32
    return %arg0, %c0_i32, %c0_i32_0 : i32, i32, i32
  }
  func.func @transform_10(%arg0: i32) -> (i32, i32) {
    %c0_i32 = arith.constant 0 : i32
    %c0_i32_0 = arith.constant 0 : i32
    %c0_i32_1 = arith.constant 0 : i32
    return %c0_i32, %c0_i32_0 : i32, i32
  }
  func.func @transform_11(%arg0: i32) -> (i32, i32) {
    %c0_i32 = arith.constant 0 : i32
    %c0_i32_0 = arith.constant 0 : i32
    %c0_i32_1 = arith.constant 0 : i32
    return %c0_i32, %c0_i32_0 : i32, i32
  }
}

module attributes {stable_mosaic.version = 14 : i64} {
  func.func @_mm_body(%arg0: i32, %arg1: memref<256x32x128xbf16, #tpu.memory_space<vmem>>, %arg2: memref<1x128xf32, #tpu.memory_space<vmem>>, %arg3: memref<1x128xf32, #tpu.memory_space<vmem>>, %arg4: memref<128x64xf32, #tpu.memory_space<vmem>>, %arg5: memref<1x64xf32, #tpu.memory_space<vmem>>, %arg6: memref<256x32x64xbf16, #tpu.memory_space<vmem>>, %arg7: memref<2x64xf32, #tpu.memory_space<vmem>>) attributes {dimension_semantics = [#tpu.dimension_semantics<arbitrary>], iteration_bounds = array<i64: 32>, scalar_prefetch = 0 : i64, scratch_operands = 0 : i64, tpu.core_type = #tpu.core_type<tc>, window_params = [{transform_indices = @transform_0, window_bounds = array<i64: 256, 32, 128>}, {pipeline_mode = #tpu.pipeline_mode<synchronous>, transform_indices = @transform_1, window_bounds = array<i64: 1, 128>}, {pipeline_mode = #tpu.pipeline_mode<synchronous>, transform_indices = @transform_2, window_bounds = array<i64: 1, 128>}, {pipeline_mode = #tpu.pipeline_mode<synchronous>, transform_indices = @transform_3, window_bounds = array<i64: 128, 64>}, {pipeline_mode = #tpu.pipeline_mode<synchronous>, transform_indices = @transform_4, window_bounds = array<i64: 1, 64>}, {transform_indices = @transform_5, window_bounds = array<i64: 256, 32, 64>}, {pipeline_mode = #tpu.pipeline_mode<synchronous>, transform_indices = @transform_6, window_bounds = array<i64: 2, 64>}]} {
    %get3A = arith.constant 0 : index
    %get3A_0 = arith.constant 0 : index
    %get3A_1 = arith.constant 0 : index
    %get3A_2 = vector.load %arg1[%get3A, %get3A_0, %get3A_1] : memref<256x32x128xbf16, #tpu.memory_space<vmem>>, vector<256x32x128xbf16>
    %reshape3A = vector.shape_cast %get3A_2 : vector<256x32x128xbf16> to vector<8192x128xbf16>
    %get3A_3 = arith.constant 0 : index
    %get3A_4 = arith.constant 0 : index
    %get3A_5 = vector.load %arg2[%get3A_3, %get3A_4] : memref<1x128xf32, #tpu.memory_space<vmem>>, vector<1x128xf32>
    %convert_element_type3A = arith.extf %reshape3A : vector<8192x128xbf16> to vector<8192x128xf32>
    %mul3A = vector.broadcast %get3A_5 : vector<1x128xf32> to vector<8192x128xf32>
    %mul3A_6 = arith.mulf %convert_element_type3A, %mul3A : vector<8192x128xf32>
    %get3A_7 = arith.constant 0 : index
    %get3A_8 = arith.constant 0 : index
    %get3A_9 = vector.load %arg3[%get3A_7, %get3A_8] : memref<1x128xf32, #tpu.memory_space<vmem>>, vector<1x128xf32>
    %add3A = vector.broadcast %get3A_9 : vector<1x128xf32> to vector<8192x128xf32>
    %add3A_10 = arith.addf %mul3A_6, %add3A : vector<8192x128xf32>
    %max3A = arith.constant 0.000000e+00 : f32
    %max3A_11 = vector.broadcast %max3A : f32 to vector<8192x128xf32>
    %max3A_12 = arith.maximumf %add3A_10, %max3A_11 : vector<8192x128xf32>
    %get3A_13 = arith.constant 0 : index
    %get3A_14 = arith.constant 0 : index
    %get3A_15 = vector.load %arg4[%get3A_13, %get3A_14] : memref<128x64xf32, #tpu.memory_space<vmem>>, vector<128x64xf32>
    %convert_element_type3A_16 = arith.truncf %max3A_12 : vector<8192x128xf32> to vector<8192x128xbf16>
    %convert_element_type3A_17 = arith.truncf %get3A_15 : vector<128x64xf32> to vector<128x64xbf16>
    %dot_general3A = arith.constant dense<0.000000e+00> : vector<8192x64xf32>
    %dot_general3A_18 = tpu.matmul %convert_element_type3A_16, %convert_element_type3A_17, %dot_general3A {dimension_numbers = #tpu.dot_dimension_numbers<[1], [0], [0], [1], [0, 0, 1, 1], [], []>, transpose_lhs_hint = false} : vector<8192x128xbf16>, vector<128x64xbf16>, vector<8192x64xf32> -> vector<8192x64xf32>
    %get3A_19 = arith.constant 0 : index
    %get3A_20 = arith.constant 0 : index
    %get3A_21 = vector.load %arg5[%get3A_19, %get3A_20] : memref<1x64xf32, #tpu.memory_space<vmem>>, vector<1x64xf32>
    %add3A_22 = vector.broadcast %get3A_21 : vector<1x64xf32> to vector<8192x64xf32>
    %add3A_23 = arith.addf %dot_general3A_18, %add3A_22 : vector<8192x64xf32>
    %reshape3A_24 = vector.shape_cast %add3A_23 : vector<8192x64xf32> to vector<256x32x64xf32>
    %convert_element_type3A_25 = arith.truncf %reshape3A_24 : vector<256x32x64xf32> to vector<256x32x64xbf16>
    %swap3A = arith.constant 0 : index
    %swap3A_26 = arith.constant 0 : index
    %swap3A_27 = arith.constant 0 : index
    %swap3A_28 = vector.load %arg6[%swap3A, %swap3A_26, %swap3A_27] : memref<256x32x64xbf16, #tpu.memory_space<vmem>>, vector<256x32x64xbf16>
    tpu.vector_store %arg6[%swap3A, %swap3A_26, %swap3A_27], %convert_element_type3A_25 {strides = array<i32>} : memref<256x32x64xbf16, #tpu.memory_space<vmem>>, vector<256x32x64xbf16>,
    %eq3A = arith.constant 0 : i32
    %eq3A_29 = arith.cmpi eq, %arg0, %eq3A : i32
    %convert_element_type3A_30 = arith.extui %eq3A_29 : i1 to i32
    %cond3A = arith.constant 0 : i32
    %cond3A_31 = arith.cmpi ne, %convert_element_type3A_30, %cond3A : i32
    scf.if %cond3A_31 {
      %broadcast_in_dim3A_44 = arith.constant 0.000000e+00 : f32
      %broadcast_in_dim3A_45 = vector.broadcast %broadcast_in_dim3A_44 : f32 to vector<2x64xf32>
      %swap3A_46 = arith.constant 0 : index
      %swap3A_47 = arith.constant 0 : index
      %swap3A_48 = vector.load %arg7[%swap3A_46, %swap3A_47] : memref<2x64xf32, #tpu.memory_space<vmem>>, vector<2x64xf32>
      tpu.vector_store %arg7[%swap3A_46, %swap3A_47], %broadcast_in_dim3A_45 {strides = array<i32>} : memref<2x64xf32, #tpu.memory_space<vmem>>, vector<2x64xf32>,
    } else {
    }
    %get3A_32 = arith.constant 0 : index
    %get3A_33 = arith.constant 0 : index
    %get3A_34 = vector.load %arg7[%get3A_32, %get3A_33] : memref<2x64xf32, #tpu.memory_space<vmem>>, vector<2x64xf32>
    %reduce_sum3A = arith.constant dense<0.000000e+00> : vector<64xf32>
    %reduce_sum3A_35 = vector.multi_reduction <add>, %add3A_23, %reduce_sum3A [0] : vector<8192x64xf32> to vector<64xf32>
    %broadcast_in_dim3A = vector.shape_cast %reduce_sum3A_35 : vector<64xf32> to vector<1x64xf32>
    %mul3A_36 = arith.mulf %add3A_23, %add3A_23 : vector<8192x64xf32>
    %reduce_sum3A_37 = arith.constant dense<0.000000e+00> : vector<64xf32>
    %reduce_sum3A_38 = vector.multi_reduction <add>, %mul3A_36, %reduce_sum3A_37 [0] : vector<8192x64xf32> to vector<64xf32>
    %broadcast_in_dim3A_39 = vector.shape_cast %reduce_sum3A_38 : vector<64xf32> to vector<1x64xf32>
    %concatenate3A = tpu.concatenate %broadcast_in_dim3A, %broadcast_in_dim3A_39 in 0 : vector<1x64xf32>, vector<1x64xf32> -> vector<2x64xf32>
    %add3A_40 = arith.addf %get3A_34, %concatenate3A : vector<2x64xf32>
    %swap3A_41 = arith.constant 0 : index
    %swap3A_42 = arith.constant 0 : index
    %swap3A_43 = vector.load %arg7[%swap3A_41, %swap3A_42] : memref<2x64xf32, #tpu.memory_space<vmem>>, vector<2x64xf32>
    tpu.vector_store %arg7[%swap3A_41, %swap3A_42], %add3A_40 {strides = array<i32>} : memref<2x64xf32, #tpu.memory_space<vmem>>, vector<2x64xf32>,
    return
  }
  func.func @transform_0(%arg0: i32) -> (i32, i32, i32) {
    %c0_i32 = arith.constant 0 : i32
    %c0_i32_0 = arith.constant 0 : i32
    %c0_i32_1 = arith.constant 0 : i32
    return %arg0, %c0_i32, %c0_i32_0 : i32, i32, i32
  }
  func.func @transform_1(%arg0: i32) -> (i32, i32) {
    %c0_i32 = arith.constant 0 : i32
    %c0_i32_0 = arith.constant 0 : i32
    %c0_i32_1 = arith.constant 0 : i32
    return %c0_i32, %c0_i32_0 : i32, i32
  }
  func.func @transform_2(%arg0: i32) -> (i32, i32) {
    %c0_i32 = arith.constant 0 : i32
    %c0_i32_0 = arith.constant 0 : i32
    %c0_i32_1 = arith.constant 0 : i32
    return %c0_i32, %c0_i32_0 : i32, i32
  }
  func.func @transform_3(%arg0: i32) -> (i32, i32) {
    %c0_i32 = arith.constant 0 : i32
    %c0_i32_0 = arith.constant 0 : i32
    %c0_i32_1 = arith.constant 0 : i32
    return %c0_i32, %c0_i32_0 : i32, i32
  }
  func.func @transform_4(%arg0: i32) -> (i32, i32) {
    %c0_i32 = arith.constant 0 : i32
    %c0_i32_0 = arith.constant 0 : i32
    %c0_i32_1 = arith.constant 0 : i32
    return %c0_i32, %c0_i32_0 : i32, i32
  }
  func.func @transform_5(%arg0: i32) -> (i32, i32, i32) {
    %c0_i32 = arith.constant 0 : i32
    %c0_i32_0 = arith.constant 0 : i32
    %c0_i32_1 = arith.constant 0 : i32
    return %arg0, %c0_i32, %c0_i32_0 : i32, i32, i32
  }
  func.func @transform_6(%arg0: i32) -> (i32, i32) {
    %c0_i32 = arith.constant 0 : i32
    %c0_i32_0 = arith.constant 0 : i32
    %c0_i32_1 = arith.constant 0 : i32
    return %c0_i32, %c0_i32_0 : i32, i32
  }
}

module attributes {stable_mosaic.version = 14 : i64} {
  func.func @_mm_body(%arg0: i32, %arg1: memref<256x32x64xbf16, #tpu.memory_space<vmem>>, %arg2: memref<1x64xf32, #tpu.memory_space<vmem>>, %arg3: memref<1x64xf32, #tpu.memory_space<vmem>>, %arg4: memref<64x64xf32, #tpu.memory_space<vmem>>, %arg5: memref<1x64xf32, #tpu.memory_space<vmem>>, %arg6: memref<256x32x64xbf16, #tpu.memory_space<vmem>>, %arg7: memref<2x64xf32, #tpu.memory_space<vmem>>) attributes {dimension_semantics = [#tpu.dimension_semantics<arbitrary>], iteration_bounds = array<i64: 32>, scalar_prefetch = 0 : i64, scratch_operands = 0 : i64, tpu.core_type = #tpu.core_type<tc>, window_params = [{transform_indices = @transform_0, window_bounds = array<i64: 256, 32, 64>}, {pipeline_mode = #tpu.pipeline_mode<synchronous>, transform_indices = @transform_1, window_bounds = array<i64: 1, 64>}, {pipeline_mode = #tpu.pipeline_mode<synchronous>, transform_indices = @transform_2, window_bounds = array<i64: 1, 64>}, {pipeline_mode = #tpu.pipeline_mode<synchronous>, transform_indices = @transform_3, window_bounds = array<i64: 64, 64>}, {pipeline_mode = #tpu.pipeline_mode<synchronous>, transform_indices = @transform_4, window_bounds = array<i64: 1, 64>}, {transform_indices = @transform_5, window_bounds = array<i64: 256, 32, 64>}, {pipeline_mode = #tpu.pipeline_mode<synchronous>, transform_indices = @transform_6, window_bounds = array<i64: 2, 64>}]} {
    %get3A = arith.constant 0 : index
    %get3A_0 = arith.constant 0 : index
    %get3A_1 = arith.constant 0 : index
    %get3A_2 = vector.load %arg1[%get3A, %get3A_0, %get3A_1] : memref<256x32x64xbf16, #tpu.memory_space<vmem>>, vector<256x32x64xbf16>
    %reshape3A = vector.shape_cast %get3A_2 : vector<256x32x64xbf16> to vector<8192x64xbf16>
    %get3A_3 = arith.constant 0 : index
    %get3A_4 = arith.constant 0 : index
    %get3A_5 = vector.load %arg2[%get3A_3, %get3A_4] : memref<1x64xf32, #tpu.memory_space<vmem>>, vector<1x64xf32>
    %convert_element_type3A = arith.extf %reshape3A : vector<8192x64xbf16> to vector<8192x64xf32>
    %mul3A = vector.broadcast %get3A_5 : vector<1x64xf32> to vector<8192x64xf32>
    %mul3A_6 = arith.mulf %convert_element_type3A, %mul3A : vector<8192x64xf32>
    %get3A_7 = arith.constant 0 : index
    %get3A_8 = arith.constant 0 : index
    %get3A_9 = vector.load %arg3[%get3A_7, %get3A_8] : memref<1x64xf32, #tpu.memory_space<vmem>>, vector<1x64xf32>
    %add3A = vector.broadcast %get3A_9 : vector<1x64xf32> to vector<8192x64xf32>
    %add3A_10 = arith.addf %mul3A_6, %add3A : vector<8192x64xf32>
    %max3A = arith.constant 0.000000e+00 : f32
    %max3A_11 = vector.broadcast %max3A : f32 to vector<8192x64xf32>
    %max3A_12 = arith.maximumf %add3A_10, %max3A_11 : vector<8192x64xf32>
    %get3A_13 = arith.constant 0 : index
    %get3A_14 = arith.constant 0 : index
    %get3A_15 = vector.load %arg4[%get3A_13, %get3A_14] : memref<64x64xf32, #tpu.memory_space<vmem>>, vector<64x64xf32>
    %convert_element_type3A_16 = arith.truncf %max3A_12 : vector<8192x64xf32> to vector<8192x64xbf16>
    %convert_element_type3A_17 = arith.truncf %get3A_15 : vector<64x64xf32> to vector<64x64xbf16>
    %dot_general3A = arith.constant dense<0.000000e+00> : vector<8192x64xf32>
    %dot_general3A_18 = tpu.matmul %convert_element_type3A_16, %convert_element_type3A_17, %dot_general3A {dimension_numbers = #tpu.dot_dimension_numbers<[1], [0], [0], [1], [0, 0, 1, 1], [], []>, transpose_lhs_hint = false} : vector<8192x64xbf16>, vector<64x64xbf16>, vector<8192x64xf32> -> vector<8192x64xf32>
    %get3A_19 = arith.constant 0 : index
    %get3A_20 = arith.constant 0 : index
    %get3A_21 = vector.load %arg5[%get3A_19, %get3A_20] : memref<1x64xf32, #tpu.memory_space<vmem>>, vector<1x64xf32>
    %add3A_22 = vector.broadcast %get3A_21 : vector<1x64xf32> to vector<8192x64xf32>
    %add3A_23 = arith.addf %dot_general3A_18, %add3A_22 : vector<8192x64xf32>
    %reshape3A_24 = vector.shape_cast %add3A_23 : vector<8192x64xf32> to vector<256x32x64xf32>
    %convert_element_type3A_25 = arith.truncf %reshape3A_24 : vector<256x32x64xf32> to vector<256x32x64xbf16>
    %swap3A = arith.constant 0 : index
    %swap3A_26 = arith.constant 0 : index
    %swap3A_27 = arith.constant 0 : index
    %swap3A_28 = vector.load %arg6[%swap3A, %swap3A_26, %swap3A_27] : memref<256x32x64xbf16, #tpu.memory_space<vmem>>, vector<256x32x64xbf16>
    tpu.vector_store %arg6[%swap3A, %swap3A_26, %swap3A_27], %convert_element_type3A_25 {strides = array<i32>} : memref<256x32x64xbf16, #tpu.memory_space<vmem>>, vector<256x32x64xbf16>,
    %eq3A = arith.constant 0 : i32
    %eq3A_29 = arith.cmpi eq, %arg0, %eq3A : i32
    %convert_element_type3A_30 = arith.extui %eq3A_29 : i1 to i32
    %cond3A = arith.constant 0 : i32
    %cond3A_31 = arith.cmpi ne, %convert_element_type3A_30, %cond3A : i32
    scf.if %cond3A_31 {
      %broadcast_in_dim3A_44 = arith.constant 0.000000e+00 : f32
      %broadcast_in_dim3A_45 = vector.broadcast %broadcast_in_dim3A_44 : f32 to vector<2x64xf32>
      %swap3A_46 = arith.constant 0 : index
      %swap3A_47 = arith.constant 0 : index
      %swap3A_48 = vector.load %arg7[%swap3A_46, %swap3A_47] : memref<2x64xf32, #tpu.memory_space<vmem>>, vector<2x64xf32>
      tpu.vector_store %arg7[%swap3A_46, %swap3A_47], %broadcast_in_dim3A_45 {strides = array<i32>} : memref<2x64xf32, #tpu.memory_space<vmem>>, vector<2x64xf32>,
    } else {
    }
    %get3A_32 = arith.constant 0 : index
    %get3A_33 = arith.constant 0 : index
    %get3A_34 = vector.load %arg7[%get3A_32, %get3A_33] : memref<2x64xf32, #tpu.memory_space<vmem>>, vector<2x64xf32>
    %reduce_sum3A = arith.constant dense<0.000000e+00> : vector<64xf32>
    %reduce_sum3A_35 = vector.multi_reduction <add>, %add3A_23, %reduce_sum3A [0] : vector<8192x64xf32> to vector<64xf32>
    %broadcast_in_dim3A = vector.shape_cast %reduce_sum3A_35 : vector<64xf32> to vector<1x64xf32>
    %mul3A_36 = arith.mulf %add3A_23, %add3A_23 : vector<8192x64xf32>
    %reduce_sum3A_37 = arith.constant dense<0.000000e+00> : vector<64xf32>
    %reduce_sum3A_38 = vector.multi_reduction <add>, %mul3A_36, %reduce_sum3A_37 [0] : vector<8192x64xf32> to vector<64xf32>
    %broadcast_in_dim3A_39 = vector.shape_cast %reduce_sum3A_38 : vector<64xf32> to vector<1x64xf32>
    %concatenate3A = tpu.concatenate %broadcast_in_dim3A, %broadcast_in_dim3A_39 in 0 : vector<1x64xf32>, vector<1x64xf32> -> vector<2x64xf32>
    %add3A_40 = arith.addf %get3A_34, %concatenate3A : vector<2x64xf32>
    %swap3A_41 = arith.constant 0 : index
    %swap3A_42 = arith.constant 0 : index
    %swap3A_43 = vector.load %arg7[%swap3A_41, %swap3A_42] : memref<2x64xf32, #tpu.memory_space<vmem>>, vector<2x64xf32>
    tpu.vector_store %arg7[%swap3A_41, %swap3A_42], %add3A_40 {strides = array<i32>} : memref<2x64xf32, #tpu.memory_space<vmem>>, vector<2x64xf32>,
    return
  }
  func.func @transform_0(%arg0: i32) -> (i32, i32, i32) {
    %c0_i32 = arith.constant 0 : i32
    %c0_i32_0 = arith.constant 0 : i32
    %c0_i32_1 = arith.constant 0 : i32
    return %arg0, %c0_i32, %c0_i32_0 : i32, i32, i32
  }
  func.func @transform_1(%arg0: i32) -> (i32, i32) {
    %c0_i32 = arith.constant 0 : i32
    %c0_i32_0 = arith.constant 0 : i32
    %c0_i32_1 = arith.constant 0 : i32
    return %c0_i32, %c0_i32_0 : i32, i32
  }
  func.func @transform_2(%arg0: i32) -> (i32, i32) {
    %c0_i32 = arith.constant 0 : i32
    %c0_i32_0 = arith.constant 0 : i32
    %c0_i32_1 = arith.constant 0 : i32
    return %c0_i32, %c0_i32_0 : i32, i32
  }
  func.func @transform_3(%arg0: i32) -> (i32, i32) {
    %c0_i32 = arith.constant 0 : i32
    %c0_i32_0 = arith.constant 0 : i32
    %c0_i32_1 = arith.constant 0 : i32
    return %c0_i32, %c0_i32_0 : i32, i32
  }
  func.func @transform_4(%arg0: i32) -> (i32, i32) {
    %c0_i32 = arith.constant 0 : i32
    %c0_i32_0 = arith.constant 0 : i32
    %c0_i32_1 = arith.constant 0 : i32
    return %c0_i32, %c0_i32_0 : i32, i32
  }
  func.func @transform_5(%arg0: i32) -> (i32, i32, i32) {
    %c0_i32 = arith.constant 0 : i32
    %c0_i32_0 = arith.constant 0 : i32
    %c0_i32_1 = arith.constant 0 : i32
    return %arg0, %c0_i32, %c0_i32_0 : i32, i32, i32
  }
  func.func @transform_6(%arg0: i32) -> (i32, i32) {
    %c0_i32 = arith.constant 0 : i32
    %c0_i32_0 = arith.constant 0 : i32
    %c0_i32_1 = arith.constant 0 : i32
    return %c0_i32, %c0_i32_0 : i32, i32
  }
}

module attributes {stable_mosaic.version = 14 : i64} {
  func.func @_comb2_body(%arg0: i32, %arg1: memref<256x32x64xbf16, #tpu.memory_space<vmem>>, %arg2: memref<1x64xf32, #tpu.memory_space<vmem>>, %arg3: memref<1x64xf32, #tpu.memory_space<vmem>>, %arg4: memref<256x32x64xbf16, #tpu.memory_space<vmem>>, %arg5: memref<1x64xf32, #tpu.memory_space<vmem>>, %arg6: memref<1x64xf32, #tpu.memory_space<vmem>>, %arg7: memref<64x128xf32, #tpu.memory_space<vmem>>, %arg8: memref<64x128xf32, #tpu.memory_space<vmem>>, %arg9: memref<1x128xf32, #tpu.memory_space<vmem>>, %arg10: memref<256x32x128xbf16, #tpu.memory_space<vmem>>, %arg11: memref<256x32x64xbf16, #tpu.memory_space<vmem>>, %arg12: memref<2x128xf32, #tpu.memory_space<vmem>>) attributes {dimension_semantics = [#tpu.dimension_semantics<arbitrary>], iteration_bounds = array<i64: 32>, scalar_prefetch = 0 : i64, scratch_operands = 0 : i64, tpu.core_type = #tpu.core_type<tc>, window_params = [{transform_indices = @transform_0, window_bounds = array<i64: 256, 32, 64>}, {pipeline_mode = #tpu.pipeline_mode<synchronous>, transform_indices = @transform_1, window_bounds = array<i64: 1, 64>}, {pipeline_mode = #tpu.pipeline_mode<synchronous>, transform_indices = @transform_2, window_bounds = array<i64: 1, 64>}, {transform_indices = @transform_3, window_bounds = array<i64: 256, 32, 64>}, {pipeline_mode = #tpu.pipeline_mode<synchronous>, transform_indices = @transform_4, window_bounds = array<i64: 1, 64>}, {pipeline_mode = #tpu.pipeline_mode<synchronous>, transform_indices = @transform_5, window_bounds = array<i64: 1, 64>}, {pipeline_mode = #tpu.pipeline_mode<synchronous>, transform_indices = @transform_6, window_bounds = array<i64: 64, 128>}, {pipeline_mode = #tpu.pipeline_mode<synchronous>, transform_indices = @transform_7, window_bounds = array<i64: 64, 128>}, {pipeline_mode = #tpu.pipeline_mode<synchronous>, transform_indices = @transform_8, window_bounds = array<i64: 1, 128>}, {transform_indices = @transform_9, window_bounds = array<i64: 256, 32, 128>}, {transform_indices = @transform_10, window_bounds = array<i64: 256, 32, 64>}, {pipeline_mode = #tpu.pipeline_mode<synchronous>, transform_indices = @transform_11, window_bounds = array<i64: 2, 128>}]} {
    %get3A = arith.constant 0 : index
    %get3A_0 = arith.constant 0 : index
    %get3A_1 = arith.constant 0 : index
    %get3A_2 = vector.load %arg1[%get3A, %get3A_0, %get3A_1] : memref<256x32x64xbf16, #tpu.memory_space<vmem>>, vector<256x32x64xbf16>
    %get3A_3 = arith.constant 0 : index
    %get3A_4 = arith.constant 0 : index
    %get3A_5 = vector.load %arg2[%get3A_3, %get3A_4] : memref<1x64xf32, #tpu.memory_space<vmem>>, vector<1x64xf32>
    %convert_element_type3A = arith.extf %get3A_2 : vector<256x32x64xbf16> to vector<256x32x64xf32>
    %broadcast_in_dim3A = vector.shape_cast %get3A_5 : vector<1x64xf32> to vector<1x1x64xf32>
    %mul3A = vector.broadcast %broadcast_in_dim3A : vector<1x1x64xf32> to vector<256x32x64xf32>
    %mul3A_6 = arith.mulf %convert_element_type3A, %mul3A : vector<256x32x64xf32>
    %get3A_7 = arith.constant 0 : index
    %get3A_8 = arith.constant 0 : index
    %get3A_9 = vector.load %arg3[%get3A_7, %get3A_8] : memref<1x64xf32, #tpu.memory_space<vmem>>, vector<1x64xf32>
    %broadcast_in_dim3A_10 = vector.shape_cast %get3A_9 : vector<1x64xf32> to vector<1x1x64xf32>
    %add3A = vector.broadcast %broadcast_in_dim3A_10 : vector<1x1x64xf32> to vector<256x32x64xf32>
    %add3A_11 = arith.addf %mul3A_6, %add3A : vector<256x32x64xf32>
    %max3A = arith.constant 0.000000e+00 : f32
    %max3A_12 = vector.broadcast %max3A : f32 to vector<256x32x64xf32>
    %max3A_13 = arith.maximumf %add3A_11, %max3A_12 : vector<256x32x64xf32>
    %get3A_14 = arith.constant 0 : index
    %get3A_15 = arith.constant 0 : index
    %get3A_16 = arith.constant 0 : index
    %get3A_17 = vector.load %arg4[%get3A_14, %get3A_15, %get3A_16] : memref<256x32x64xbf16, #tpu.memory_space<vmem>>, vector<256x32x64xbf16>
    %get3A_18 = arith.constant 0 : index
    %get3A_19 = arith.constant 0 : index
    %get3A_20 = vector.load %arg5[%get3A_18, %get3A_19] : memref<1x64xf32, #tpu.memory_space<vmem>>, vector<1x64xf32>
    %convert_element_type3A_21 = arith.extf %get3A_17 : vector<256x32x64xbf16> to vector<256x32x64xf32>
    %broadcast_in_dim3A_22 = vector.shape_cast %get3A_20 : vector<1x64xf32> to vector<1x1x64xf32>
    %mul3A_23 = vector.broadcast %broadcast_in_dim3A_22 : vector<1x1x64xf32> to vector<256x32x64xf32>
    %mul3A_24 = arith.mulf %convert_element_type3A_21, %mul3A_23 : vector<256x32x64xf32>
    %get3A_25 = arith.constant 0 : index
    %get3A_26 = arith.constant 0 : index
    %get3A_27 = vector.load %arg6[%get3A_25, %get3A_26] : memref<1x64xf32, #tpu.memory_space<vmem>>, vector<1x64xf32>
    %broadcast_in_dim3A_28 = vector.shape_cast %get3A_27 : vector<1x64xf32> to vector<1x1x64xf32>
    %add3A_29 = vector.broadcast %broadcast_in_dim3A_28 : vector<1x1x64xf32> to vector<256x32x64xf32>
    %add3A_30 = arith.addf %mul3A_24, %add3A_29 : vector<256x32x64xf32>
    %max3A_31 = arith.constant 0.000000e+00 : f32
    %max3A_32 = vector.broadcast %max3A_31 : f32 to vector<256x32x64xf32>
    %max3A_33 = arith.maximumf %add3A_30, %max3A_32 : vector<256x32x64xf32>
    %convert_element_type3A_34 = arith.truncf %max3A_33 : vector<256x32x64xf32> to vector<256x32x64xbf16>
    %swap3A = arith.constant 0 : index
    %swap3A_35 = arith.constant 0 : index
    %swap3A_36 = arith.constant 0 : index
    %swap3A_37 = vector.load %arg11[%swap3A, %swap3A_35, %swap3A_36] : memref<256x32x64xbf16, #tpu.memory_space<vmem>>, vector<256x32x64xbf16>
    tpu.vector_store %arg11[%swap3A, %swap3A_35, %swap3A_36], %convert_element_type3A_34 {strides = array<i32>} : memref<256x32x64xbf16, #tpu.memory_space<vmem>>, vector<256x32x64xbf16>,
    %reshape3A = vector.shape_cast %max3A_13 : vector<256x32x64xf32> to vector<8192x64xf32>
    %reshape3A_38 = vector.shape_cast %max3A_33 : vector<256x32x64xf32> to vector<8192x64xf32>
    %get3A_39 = arith.constant 0 : index
    %get3A_40 = arith.constant 0 : index
    %get3A_41 = vector.load %arg7[%get3A_39, %get3A_40] : memref<64x128xf32, #tpu.memory_space<vmem>>, vector<64x128xf32>
    %convert_element_type3A_42 = arith.truncf %reshape3A : vector<8192x64xf32> to vector<8192x64xbf16>
    %convert_element_type3A_43 = arith.truncf %get3A_41 : vector<64x128xf32> to vector<64x128xbf16>
    %dot_general3A = arith.constant dense<0.000000e+00> : vector<8192x128xf32>
    %dot_general3A_44 = tpu.matmul %convert_element_type3A_42, %convert_element_type3A_43, %dot_general3A {dimension_numbers = #tpu.dot_dimension_numbers<[1], [0], [0], [1], [0, 0, 1, 1], [], []>, transpose_lhs_hint = false} : vector<8192x64xbf16>, vector<64x128xbf16>, vector<8192x128xf32> -> vector<8192x128xf32>
    %get3A_45 = arith.constant 0 : index
    %get3A_46 = arith.constant 0 : index
    %get3A_47 = vector.load %arg8[%get3A_45, %get3A_46] : memref<64x128xf32, #tpu.memory_space<vmem>>, vector<64x128xf32>
    %convert_element_type3A_48 = arith.truncf %reshape3A_38 : vector<8192x64xf32> to vector<8192x64xbf16>
    %convert_element_type3A_49 = arith.truncf %get3A_47 : vector<64x128xf32> to vector<64x128xbf16>
    %dot_general3A_50 = arith.constant dense<0.000000e+00> : vector<8192x128xf32>
    %dot_general3A_51 = tpu.matmul %convert_element_type3A_48, %convert_element_type3A_49, %dot_general3A_50 {dimension_numbers = #tpu.dot_dimension_numbers<[1], [0], [0], [1], [0, 0, 1, 1], [], []>, transpose_lhs_hint = false} : vector<8192x64xbf16>, vector<64x128xbf16>, vector<8192x128xf32> -> vector<8192x128xf32>
    %add3A_52 = arith.addf %dot_general3A_44, %dot_general3A_51 : vector<8192x128xf32>
    %get3A_53 = arith.constant 0 : index
    %get3A_54 = arith.constant 0 : index
    %get3A_55 = vector.load %arg9[%get3A_53, %get3A_54] : memref<1x128xf32, #tpu.memory_space<vmem>>, vector<1x128xf32>
    %add3A_56 = vector.broadcast %get3A_55 : vector<1x128xf32> to vector<8192x128xf32>
    %add3A_57 = arith.addf %add3A_52, %add3A_56 : vector<8192x128xf32>
    %reshape3A_58 = vector.shape_cast %add3A_57 : vector<8192x128xf32> to vector<256x32x128xf32>
    %convert_element_type3A_59 = arith.truncf %reshape3A_58 : vector<256x32x128xf32> to vector<256x32x128xbf16>
    %swap3A_60 = arith.constant 0 : index
    %swap3A_61 = arith.constant 0 : index
    %swap3A_62 = arith.constant 0 : index
    %swap3A_63 = vector.load %arg10[%swap3A_60, %swap3A_61, %swap3A_62] : memref<256x32x128xbf16, #tpu.memory_space<vmem>>, vector<256x32x128xbf16>
    tpu.vector_store %arg10[%swap3A_60, %swap3A_61, %swap3A_62], %convert_element_type3A_59 {strides = array<i32>} : memref<256x32x128xbf16, #tpu.memory_space<vmem>>, vector<256x32x128xbf16>,
    %eq3A = arith.constant 0 : i32
    %eq3A_64 = arith.cmpi eq, %arg0, %eq3A : i32
    %convert_element_type3A_65 = arith.extui %eq3A_64 : i1 to i32
    %cond3A = arith.constant 0 : i32
    %cond3A_66 = arith.cmpi ne, %convert_element_type3A_65, %cond3A : i32
    scf.if %cond3A_66 {
      %broadcast_in_dim3A_80 = arith.constant 0.000000e+00 : f32
      %broadcast_in_dim3A_81 = vector.broadcast %broadcast_in_dim3A_80 : f32 to vector<2x128xf32>
      %swap3A_82 = arith.constant 0 : index
      %swap3A_83 = arith.constant 0 : index
      %swap3A_84 = vector.load %arg12[%swap3A_82, %swap3A_83] : memref<2x128xf32, #tpu.memory_space<vmem>>, vector<2x128xf32>
      tpu.vector_store %arg12[%swap3A_82, %swap3A_83], %broadcast_in_dim3A_81 {strides = array<i32>} : memref<2x128xf32, #tpu.memory_space<vmem>>, vector<2x128xf32>,
    } else {
    }
    %get3A_67 = arith.constant 0 : index
    %get3A_68 = arith.constant 0 : index
    %get3A_69 = vector.load %arg12[%get3A_67, %get3A_68] : memref<2x128xf32, #tpu.memory_space<vmem>>, vector<2x128xf32>
    %reduce_sum3A = arith.constant dense<0.000000e+00> : vector<128xf32>
    %reduce_sum3A_70 = vector.multi_reduction <add>, %add3A_57, %reduce_sum3A [0] : vector<8192x128xf32> to vector<128xf32>
    %broadcast_in_dim3A_71 = vector.shape_cast %reduce_sum3A_70 : vector<128xf32> to vector<1x128xf32>
    %mul3A_72 = arith.mulf %add3A_57, %add3A_57 : vector<8192x128xf32>
    %reduce_sum3A_73 = arith.constant dense<0.000000e+00> : vector<128xf32>
    %reduce_sum3A_74 = vector.multi_reduction <add>, %mul3A_72, %reduce_sum3A_73 [0] : vector<8192x128xf32> to vector<128xf32>
    %broadcast_in_dim3A_75 = vector.shape_cast %reduce_sum3A_74 : vector<128xf32> to vector<1x128xf32>
    %concatenate3A = tpu.concatenate %broadcast_in_dim3A_71, %broadcast_in_dim3A_75 in 0 : vector<1x128xf32>, vector<1x128xf32> -> vector<2x128xf32>
    %add3A_76 = arith.addf %get3A_69, %concatenate3A : vector<2x128xf32>
    %swap3A_77 = arith.constant 0 : index
    %swap3A_78 = arith.constant 0 : index
    %swap3A_79 = vector.load %arg12[%swap3A_77, %swap3A_78] : memref<2x128xf32, #tpu.memory_space<vmem>>, vector<2x128xf32>
    tpu.vector_store %arg12[%swap3A_77, %swap3A_78], %add3A_76 {strides = array<i32>} : memref<2x128xf32, #tpu.memory_space<vmem>>, vector<2x128xf32>,
    return
  }
  func.func @transform_0(%arg0: i32) -> (i32, i32, i32) {
    %c0_i32 = arith.constant 0 : i32
    %c0_i32_0 = arith.constant 0 : i32
    %c0_i32_1 = arith.constant 0 : i32
    return %arg0, %c0_i32, %c0_i32_0 : i32, i32, i32
  }
  func.func @transform_1(%arg0: i32) -> (i32, i32) {
    %c0_i32 = arith.constant 0 : i32
    %c0_i32_0 = arith.constant 0 : i32
    %c0_i32_1 = arith.constant 0 : i32
    return %c0_i32, %c0_i32_0 : i32, i32
  }
  func.func @transform_2(%arg0: i32) -> (i32, i32) {
    %c0_i32 = arith.constant 0 : i32
    %c0_i32_0 = arith.constant 0 : i32
    %c0_i32_1 = arith.constant 0 : i32
    return %c0_i32, %c0_i32_0 : i32, i32
  }
  func.func @transform_3(%arg0: i32) -> (i32, i32, i32) {
    %c0_i32 = arith.constant 0 : i32
    %c0_i32_0 = arith.constant 0 : i32
    %c0_i32_1 = arith.constant 0 : i32
    return %arg0, %c0_i32, %c0_i32_0 : i32, i32, i32
  }
  func.func @transform_4(%arg0: i32) -> (i32, i32) {
    %c0_i32 = arith.constant 0 : i32
    %c0_i32_0 = arith.constant 0 : i32
    %c0_i32_1 = arith.constant 0 : i32
    return %c0_i32, %c0_i32_0 : i32, i32
  }
  func.func @transform_5(%arg0: i32) -> (i32, i32) {
    %c0_i32 = arith.constant 0 : i32
    %c0_i32_0 = arith.constant 0 : i32
    %c0_i32_1 = arith.constant 0 : i32
    return %c0_i32, %c0_i32_0 : i32, i32
  }
  func.func @transform_6(%arg0: i32) -> (i32, i32) {
    %c0_i32 = arith.constant 0 : i32
    %c0_i32_0 = arith.constant 0 : i32
    %c0_i32_1 = arith.constant 0 : i32
    return %c0_i32, %c0_i32_0 : i32, i32
  }
  func.func @transform_7(%arg0: i32) -> (i32, i32) {
    %c0_i32 = arith.constant 0 : i32
    %c0_i32_0 = arith.constant 0 : i32
    %c0_i32_1 = arith.constant 0 : i32
    return %c0_i32, %c0_i32_0 : i32, i32
  }
  func.func @transform_8(%arg0: i32) -> (i32, i32) {
    %c0_i32 = arith.constant 0 : i32
    %c0_i32_0 = arith.constant 0 : i32
    %c0_i32_1 = arith.constant 0 : i32
    return %c0_i32, %c0_i32_0 : i32, i32
  }
  func.func @transform_9(%arg0: i32) -> (i32, i32, i32) {
    %c0_i32 = arith.constant 0 : i32
    %c0_i32_0 = arith.constant 0 : i32
    %c0_i32_1 = arith.constant 0 : i32
    return %arg0, %c0_i32, %c0_i32_0 : i32, i32, i32
  }
  func.func @transform_10(%arg0: i32) -> (i32, i32, i32) {
    %c0_i32 = arith.constant 0 : i32
    %c0_i32_0 = arith.constant 0 : i32
    %c0_i32_1 = arith.constant 0 : i32
    return %arg0, %c0_i32, %c0_i32_0 : i32, i32, i32
  }
  func.func @transform_11(%arg0: i32) -> (i32, i32) {
    %c0_i32 = arith.constant 0 : i32
    %c0_i32_0 = arith.constant 0 : i32
    %c0_i32_1 = arith.constant 0 : i32
    return %c0_i32, %c0_i32_0 : i32, i32
  }
}

module attributes {stable_mosaic.version = 14 : i64} {
  func.func @_smr_body(%arg0: i32, %arg1: memref<256x32x64xbf16, #tpu.memory_space<vmem>>, %arg2: memref<1x64xf32, #tpu.memory_space<vmem>>, %arg3: memref<1x64xf32, #tpu.memory_space<vmem>>, %arg4: memref<256x32x64xbf16, #tpu.memory_space<vmem>>, %arg5: memref<256x64xf32, #tpu.memory_space<vmem>>) attributes {dimension_semantics = [#tpu.dimension_semantics<arbitrary>], iteration_bounds = array<i64: 32>, scalar_prefetch = 0 : i64, scratch_operands = 0 : i64, tpu.core_type = #tpu.core_type<tc>, window_params = [{transform_indices = @transform_0, window_bounds = array<i64: 256, 32, 64>}, {pipeline_mode = #tpu.pipeline_mode<synchronous>, transform_indices = @transform_1, window_bounds = array<i64: 1, 64>}, {pipeline_mode = #tpu.pipeline_mode<synchronous>, transform_indices = @transform_2, window_bounds = array<i64: 1, 64>}, {transform_indices = @transform_3, window_bounds = array<i64: 256, 32, 64>}, {transform_indices = @transform_4, window_bounds = array<i64: 256, 64>}]} {
    %get3A = arith.constant 0 : index
    %get3A_0 = arith.constant 0 : index
    %get3A_1 = arith.constant 0 : index
    %get3A_2 = vector.load %arg1[%get3A, %get3A_0, %get3A_1] : memref<256x32x64xbf16, #tpu.memory_space<vmem>>, vector<256x32x64xbf16>
    %get3A_3 = arith.constant 0 : index
    %get3A_4 = arith.constant 0 : index
    %get3A_5 = vector.load %arg2[%get3A_3, %get3A_4] : memref<1x64xf32, #tpu.memory_space<vmem>>, vector<1x64xf32>
    %convert_element_type3A = arith.extf %get3A_2 : vector<256x32x64xbf16> to vector<256x32x64xf32>
    %broadcast_in_dim3A = vector.shape_cast %get3A_5 : vector<1x64xf32> to vector<1x1x64xf32>
    %mul3A = vector.broadcast %broadcast_in_dim3A : vector<1x1x64xf32> to vector<256x32x64xf32>
    %mul3A_6 = arith.mulf %convert_element_type3A, %mul3A : vector<256x32x64xf32>
    %get3A_7 = arith.constant 0 : index
    %get3A_8 = arith.constant 0 : index
    %get3A_9 = vector.load %arg3[%get3A_7, %get3A_8] : memref<1x64xf32, #tpu.memory_space<vmem>>, vector<1x64xf32>
    %broadcast_in_dim3A_10 = vector.shape_cast %get3A_9 : vector<1x64xf32> to vector<1x1x64xf32>
    %add3A = vector.broadcast %broadcast_in_dim3A_10 : vector<1x1x64xf32> to vector<256x32x64xf32>
    %add3A_11 = arith.addf %mul3A_6, %add3A : vector<256x32x64xf32>
    %max3A = arith.constant 0.000000e+00 : f32
    %max3A_12 = vector.broadcast %max3A : f32 to vector<256x32x64xf32>
    %max3A_13 = arith.maximumf %add3A_11, %max3A_12 : vector<256x32x64xf32>
    %reduce_max3A = arith.constant dense<0xFF800000> : vector<256x64xf32>
    %reduce_max3A_14 = vector.multi_reduction <maximumf>, %max3A_13, %reduce_max3A [1] : vector<256x32x64xf32> to vector<256x64xf32>
    %broadcast_in_dim3A_15 = vector.shape_cast %reduce_max3A_14 : vector<256x64xf32> to vector<256x1x64xf32>
    %sub3A = vector.broadcast %broadcast_in_dim3A_15 : vector<256x1x64xf32> to vector<256x32x64xf32>
    %sub3A_16 = arith.subf %max3A_13, %sub3A : vector<256x32x64xf32>
    %exp3A = math.exp %sub3A_16 : vector<256x32x64xf32>
    %reduce_sum3A = arith.constant dense<0.000000e+00> : vector<256x64xf32>
    %reduce_sum3A_17 = vector.multi_reduction <add>, %exp3A, %reduce_sum3A [1] : vector<256x32x64xf32> to vector<256x64xf32>
    %broadcast_in_dim3A_18 = vector.shape_cast %reduce_sum3A_17 : vector<256x64xf32> to vector<256x1x64xf32>
    %div3A = vector.broadcast %broadcast_in_dim3A_18 : vector<256x1x64xf32> to vector<256x32x64xf32>
    %div3A_19 = arith.divf %exp3A, %div3A : vector<256x32x64xf32>
    %get3A_20 = arith.constant 0 : index
    %get3A_21 = arith.constant 0 : index
    %get3A_22 = arith.constant 0 : index
    %get3A_23 = vector.load %arg4[%get3A_20, %get3A_21, %get3A_22] : memref<256x32x64xbf16, #tpu.memory_space<vmem>>, vector<256x32x64xbf16>
    %convert_element_type3A_24 = arith.extf %get3A_23 : vector<256x32x64xbf16> to vector<256x32x64xf32>
    %mul3A_25 = arith.mulf %div3A_19, %convert_element_type3A_24 : vector<256x32x64xf32>
    %reduce_sum3A_26 = arith.constant dense<0.000000e+00> : vector<256x64xf32>
    %reduce_sum3A_27 = vector.multi_reduction <add>, %mul3A_25, %reduce_sum3A_26 [1] : vector<256x32x64xf32> to vector<256x64xf32>
    %swap3A = arith.constant 0 : index
    %swap3A_28 = arith.constant 0 : index
    %swap3A_29 = vector.load %arg5[%swap3A, %swap3A_28] : memref<256x64xf32, #tpu.memory_space<vmem>>, vector<256x64xf32>
    tpu.vector_store %arg5[%swap3A, %swap3A_28], %reduce_sum3A_27 {strides = array<i32>} : memref<256x64xf32, #tpu.memory_space<vmem>>, vector<256x64xf32>,
    return
  }
  func.func @transform_0(%arg0: i32) -> (i32, i32, i32) {
    %c0_i32 = arith.constant 0 : i32
    %c0_i32_0 = arith.constant 0 : i32
    %c0_i32_1 = arith.constant 0 : i32
    return %arg0, %c0_i32, %c0_i32_0 : i32, i32, i32
  }
  func.func @transform_1(%arg0: i32) -> (i32, i32) {
    %c0_i32 = arith.constant 0 : i32
    %c0_i32_0 = arith.constant 0 : i32
    %c0_i32_1 = arith.constant 0 : i32
    return %c0_i32, %c0_i32_0 : i32, i32
  }
  func.func @transform_2(%arg0: i32) -> (i32, i32) {
    %c0_i32 = arith.constant 0 : i32
    %c0_i32_0 = arith.constant 0 : i32
    %c0_i32_1 = arith.constant 0 : i32
    return %c0_i32, %c0_i32_0 : i32, i32
  }
  func.func @transform_3(%arg0: i32) -> (i32, i32, i32) {
    %c0_i32 = arith.constant 0 : i32
    %c0_i32_0 = arith.constant 0 : i32
    %c0_i32_1 = arith.constant 0 : i32
    return %arg0, %c0_i32, %c0_i32_0 : i32, i32, i32
  }
  func.func @transform_4(%arg0: i32) -> (i32, i32) {
    %c0_i32 = arith.constant 0 : i32
    %c0_i32_0 = arith.constant 0 : i32
    return %arg0, %c0_i32 : i32, i32
  }
}

module attributes {stable_mosaic.version = 14 : i64} {
  func.func @_feat_body(%arg0: i32, %arg1: memref<512x16x128xf32, #tpu.memory_space<vmem>>, %arg2: memref<512x3xf32, #tpu.memory_space<vmem>>, %arg3: memref<512x128xf32, #tpu.memory_space<vmem>>, %arg4: memref<512x64xf32, #tpu.memory_space<vmem>>, %arg5: memref<128x128xf32, #tpu.memory_space<vmem>>, %arg6: memref<1x128xf32, #tpu.memory_space<vmem>>, %arg7: memref<128x64xf32, #tpu.memory_space<vmem>>, %arg8: memref<1x64xf32, #tpu.memory_space<vmem>>, %arg9: memref<512x16x128xbf16, #tpu.memory_space<vmem>>, %arg10: memref<512x16x64xbf16, #tpu.memory_space<vmem>>, %arg11: memref<2x128xf32, #tpu.memory_space<vmem>>, %arg12: memref<2x64xf32, #tpu.memory_space<vmem>>) attributes {dimension_semantics = [#tpu.dimension_semantics<arbitrary>], iteration_bounds = array<i64: 16>, scalar_prefetch = 0 : i64, scratch_operands = 0 : i64, tpu.core_type = #tpu.core_type<tc>, window_params = [{transform_indices = @transform_0, window_bounds = array<i64: 512, 16, 128>}, {transform_indices = @transform_1, window_bounds = array<i64: 512, 3>}, {transform_indices = @transform_2, window_bounds = array<i64: 512, 128>}, {transform_indices = @transform_3, window_bounds = array<i64: 512, 64>}, {pipeline_mode = #tpu.pipeline_mode<synchronous>, transform_indices = @transform_4, window_bounds = array<i64: 128, 128>}, {pipeline_mode = #tpu.pipeline_mode<synchronous>, transform_indices = @transform_5, window_bounds = array<i64: 1, 128>}, {pipeline_mode = #tpu.pipeline_mode<synchronous>, transform_indices = @transform_6, window_bounds = array<i64: 128, 64>}, {pipeline_mode = #tpu.pipeline_mode<synchronous>, transform_indices = @transform_7, window_bounds = array<i64: 1, 64>}, {transform_indices = @transform_8, window_bounds = array<i64: 512, 16, 128>}, {transform_indices = @transform_9, window_bounds = array<i64: 512, 16, 64>}, {pipeline_mode = #tpu.pipeline_mode<synchronous>, transform_indices = @transform_10, window_bounds = array<i64: 2, 128>}, {pipeline_mode = #tpu.pipeline_mode<synchronous>, transform_indices = @transform_11, window_bounds = array<i64: 2, 64>}]} {
    %get3A = arith.constant 0 : index
    %get3A_0 = arith.constant 0 : index
    %get3A_1 = arith.constant 0 : index
    %get3A_2 = vector.load %arg1[%get3A, %get3A_0, %get3A_1] : memref<512x16x128xf32, #tpu.memory_space<vmem>>, vector<512x16x128xf32>
    %slice3A = vector.extract_strided_slice %get3A_2 {offsets = [0, 0, 0], sizes = [512, 16, 3], strides = [1, 1, 1]} : vector<512x16x128xf32> to vector<512x16x3xf32>
    %get3A_3 = arith.constant 0 : index
    %get3A_4 = arith.constant 0 : index
    %get3A_5 = vector.load %arg2[%get3A_3, %get3A_4] : memref<512x3xf32, #tpu.memory_space<vmem>>, vector<512x3xf32>
    %broadcast_in_dim3A = vector.shape_cast %get3A_5 : vector<512x3xf32> to vector<512x1x3xf32>
    %sub3A = vector.broadcast %broadcast_in_dim3A : vector<512x1x3xf32> to vector<512x16x3xf32>
    %sub3A_6 = arith.subf %slice3A, %sub3A : vector<512x16x3xf32>
    %mul3A = arith.mulf %sub3A_6, %sub3A_6 : vector<512x16x3xf32>
    %reduce_sum3A = arith.constant dense<0.000000e+00> : vector<512x16xf32>
    %reduce_sum3A_7 = vector.multi_reduction <add>, %mul3A, %reduce_sum3A [2] : vector<512x16x3xf32> to vector<512x16xf32>
    %broadcast_in_dim3A_8 = vector.shape_cast %reduce_sum3A_7 : vector<512x16xf32> to vector<512x16x1xf32>
    %add3A = arith.constant 9.99999968E-21 : f32
    %add3A_9 = vector.broadcast %add3A : f32 to vector<512x16x1xf32>
    %add3A_10 = arith.addf %broadcast_in_dim3A_8, %add3A_9 : vector<512x16x1xf32>
    %sqrt3A = math.sqrt %add3A_10 : vector<512x16x1xf32>
    %reshape3A = vector.shape_cast %get3A_2 : vector<512x16x128xf32> to vector<8192x128xf32>
    %reshape3A_11 = vector.shape_cast %sqrt3A : vector<512x16x1xf32> to vector<8192x1xf32>
    %get3A_12 = arith.constant 0 : index
    %get3A_13 = arith.constant 0 : index
    %get3A_14 = vector.load %arg5[%get3A_12, %get3A_13] : memref<128x128xf32, #tpu.memory_space<vmem>>, vector<128x128xf32>
    %convert_element_type3A = arith.truncf %reshape3A : vector<8192x128xf32> to vector<8192x128xbf16>
    %convert_element_type3A_15 = arith.truncf %get3A_14 : vector<128x128xf32> to vector<128x128xbf16>
    %dot_general3A = arith.constant dense<0.000000e+00> : vector<8192x128xf32>
    %dot_general3A_16 = tpu.matmul %convert_element_type3A, %convert_element_type3A_15, %dot_general3A {dimension_numbers = #tpu.dot_dimension_numbers<[1], [0], [0], [1], [0, 0, 1, 1], [], []>, transpose_lhs_hint = false} : vector<8192x128xbf16>, vector<128x128xbf16>, vector<8192x128xf32> -> vector<8192x128xf32>
    %get3A_17 = arith.constant 0 : index
    %get3A_18 = arith.constant 0 : index
    %get3A_19 = vector.load %arg6[%get3A_17, %get3A_18] : memref<1x128xf32, #tpu.memory_space<vmem>>, vector<1x128xf32>
    %mul3A_20 = vector.broadcast %reshape3A_11 : vector<8192x1xf32> to vector<8192x128xf32>
    %mul3A_21 = vector.broadcast %get3A_19 : vector<1x128xf32> to vector<8192x128xf32>
    %mul3A_22 = arith.mulf %mul3A_20, %mul3A_21 : vector<8192x128xf32>
    %add3A_23 = arith.addf %dot_general3A_16, %mul3A_22 : vector<8192x128xf32>
    %get3A_24 = arith.constant 0 : index
    %get3A_25 = arith.constant 0 : index
    %get3A_26 = vector.load %arg7[%get3A_24, %get3A_25] : memref<128x64xf32, #tpu.memory_space<vmem>>, vector<128x64xf32>
    %convert_element_type3A_27 = arith.truncf %reshape3A : vector<8192x128xf32> to vector<8192x128xbf16>
    %convert_element_type3A_28 = arith.truncf %get3A_26 : vector<128x64xf32> to vector<128x64xbf16>
    %dot_general3A_29 = arith.constant dense<0.000000e+00> : vector<8192x64xf32>
    %dot_general3A_30 = tpu.matmul %convert_element_type3A_27, %convert_element_type3A_28, %dot_general3A_29 {dimension_numbers = #tpu.dot_dimension_numbers<[1], [0], [0], [1], [0, 0, 1, 1], [], []>, transpose_lhs_hint = false} : vector<8192x128xbf16>, vector<128x64xbf16>, vector<8192x64xf32> -> vector<8192x64xf32>
    %get3A_31 = arith.constant 0 : index
    %get3A_32 = arith.constant 0 : index
    %get3A_33 = vector.load %arg8[%get3A_31, %get3A_32] : memref<1x64xf32, #tpu.memory_space<vmem>>, vector<1x64xf32>
    %mul3A_34 = vector.broadcast %reshape3A_11 : vector<8192x1xf32> to vector<8192x64xf32>
    %mul3A_35 = vector.broadcast %get3A_33 : vector<1x64xf32> to vector<8192x64xf32>
    %mul3A_36 = arith.mulf %mul3A_34, %mul3A_35 : vector<8192x64xf32>
    %add3A_37 = arith.addf %dot_general3A_30, %mul3A_36 : vector<8192x64xf32>
    %reshape3A_38 = vector.shape_cast %add3A_23 : vector<8192x128xf32> to vector<512x16x128xf32>
    %get3A_39 = arith.constant 0 : index
    %get3A_40 = arith.constant 0 : index
    %get3A_41 = vector.load %arg3[%get3A_39, %get3A_40] : memref<512x128xf32, #tpu.memory_space<vmem>>, vector<512x128xf32>
    %broadcast_in_dim3A_42 = vector.shape_cast %get3A_41 : vector<512x128xf32> to vector<512x1x128xf32>
    %add3A_43 = vector.broadcast %broadcast_in_dim3A_42 : vector<512x1x128xf32> to vector<512x16x128xf32>
    %add3A_44 = arith.addf %reshape3A_38, %add3A_43 : vector<512x16x128xf32>
    %reshape3A_45 = vector.shape_cast %add3A_37 : vector<8192x64xf32> to vector<512x16x64xf32>
    %get3A_46 = arith.constant 0 : index
    %get3A_47 = arith.constant 0 : index
    %get3A_48 = vector.load %arg4[%get3A_46, %get3A_47] : memref<512x64xf32, #tpu.memory_space<vmem>>, vector<512x64xf32>
    %broadcast_in_dim3A_49 = vector.shape_cast %get3A_48 : vector<512x64xf32> to vector<512x1x64xf32>
    %add3A_50 = vector.broadcast %broadcast_in_dim3A_49 : vector<512x1x64xf32> to vector<512x16x64xf32>
    %add3A_51 = arith.addf %reshape3A_45, %add3A_50 : vector<512x16x64xf32>
    %convert_element_type3A_52 = arith.truncf %add3A_44 : vector<512x16x128xf32> to vector<512x16x128xbf16>
    %swap3A = arith.constant 0 : index
    %swap3A_53 = arith.constant 0 : index
    %swap3A_54 = arith.constant 0 : index
    %swap3A_55 = vector.load %arg9[%swap3A, %swap3A_53, %swap3A_54] : memref<512x16x128xbf16, #tpu.memory_space<vmem>>, vector<512x16x128xbf16>
    tpu.vector_store %arg9[%swap3A, %swap3A_53, %swap3A_54], %convert_element_type3A_52 {strides = array<i32>} : memref<512x16x128xbf16, #tpu.memory_space<vmem>>, vector<512x16x128xbf16>,
    %convert_element_type3A_56 = arith.truncf %add3A_51 : vector<512x16x64xf32> to vector<512x16x64xbf16>
    %swap3A_57 = arith.constant 0 : index
    %swap3A_58 = arith.constant 0 : index
    %swap3A_59 = arith.constant 0 : index
    %swap3A_60 = vector.load %arg10[%swap3A_57, %swap3A_58, %swap3A_59] : memref<512x16x64xbf16, #tpu.memory_space<vmem>>, vector<512x16x64xbf16>
    tpu.vector_store %arg10[%swap3A_57, %swap3A_58, %swap3A_59], %convert_element_type3A_56 {strides = array<i32>} : memref<512x16x64xbf16, #tpu.memory_space<vmem>>, vector<512x16x64xbf16>,
    %eq3A = arith.constant 0 : i32
    %eq3A_61 = arith.cmpi eq, %arg0, %eq3A : i32
    %convert_element_type3A_62 = arith.extui %eq3A_61 : i1 to i32
    %cond3A = arith.constant 0 : i32
    %cond3A_63 = arith.cmpi ne, %convert_element_type3A_62, %cond3A : i32
    scf.if %cond3A_63 {
      %broadcast_in_dim3A_95 = arith.constant 0.000000e+00 : f32
      %broadcast_in_dim3A_96 = vector.broadcast %broadcast_in_dim3A_95 : f32 to vector<2x128xf32>
      %swap3A_97 = arith.constant 0 : index
      %swap3A_98 = arith.constant 0 : index
      %swap3A_99 = vector.load %arg11[%swap3A_97, %swap3A_98] : memref<2x128xf32, #tpu.memory_space<vmem>>, vector<2x128xf32>
      tpu.vector_store %arg11[%swap3A_97, %swap3A_98], %broadcast_in_dim3A_96 {strides = array<i32>} : memref<2x128xf32, #tpu.memory_space<vmem>>, vector<2x128xf32>,
      %broadcast_in_dim3A_100 = arith.constant 0.000000e+00 : f32
      %broadcast_in_dim3A_101 = vector.broadcast %broadcast_in_dim3A_100 : f32 to vector<2x64xf32>
      %swap3A_102 = arith.constant 0 : index
      %swap3A_103 = arith.constant 0 : index
      %swap3A_104 = vector.load %arg12[%swap3A_102, %swap3A_103] : memref<2x64xf32, #tpu.memory_space<vmem>>, vector<2x64xf32>
      tpu.vector_store %arg12[%swap3A_102, %swap3A_103], %broadcast_in_dim3A_101 {strides = array<i32>} : memref<2x64xf32, #tpu.memory_space<vmem>>, vector<2x64xf32>,
    } else {
    }
    %reshape3A_64 = vector.shape_cast %add3A_44 : vector<512x16x128xf32> to vector<8192x128xf32>
    %reshape3A_65 = vector.shape_cast %add3A_51 : vector<512x16x64xf32> to vector<8192x64xf32>
    %get3A_66 = arith.constant 0 : index
    %get3A_67 = arith.constant 0 : index
    %get3A_68 = vector.load %arg11[%get3A_66, %get3A_67] : memref<2x128xf32, #tpu.memory_space<vmem>>, vector<2x128xf32>
    %reduce_sum3A_69 = arith.constant dense<0.000000e+00> : vector<128xf32>
    %reduce_sum3A_70 = vector.multi_reduction <add>, %reshape3A_64, %reduce_sum3A_69 [0] : vector<8192x128xf32> to vector<128xf32>
    %broadcast_in_dim3A_71 = vector.shape_cast %reduce_sum3A_70 : vector<128xf32> to vector<1x128xf32>
    %mul3A_72 = arith.mulf %reshape3A_64, %reshape3A_64 : vector<8192x128xf32>
    %reduce_sum3A_73 = arith.constant dense<0.000000e+00> : vector<128xf32>
    %reduce_sum3A_74 = vector.multi_reduction <add>, %mul3A_72, %reduce_sum3A_73 [0] : vector<8192x128xf32> to vector<128xf32>
    %broadcast_in_dim3A_75 = vector.shape_cast %reduce_sum3A_74 : vector<128xf32> to vector<1x128xf32>
    %concatenate3A = tpu.concatenate %broadcast_in_dim3A_71, %broadcast_in_dim3A_75 in 0 : vector<1x128xf32>, vector<1x128xf32> -> vector<2x128xf32>
    %add3A_76 = arith.addf %get3A_68, %concatenate3A : vector<2x128xf32>
    %swap3A_77 = arith.constant 0 : index
    %swap3A_78 = arith.constant 0 : index
    %swap3A_79 = vector.load %arg11[%swap3A_77, %swap3A_78] : memref<2x128xf32, #tpu.memory_space<vmem>>, vector<2x128xf32>
    tpu.vector_store %arg11[%swap3A_77, %swap3A_78], %add3A_76 {strides = array<i32>} : memref<2x128xf32, #tpu.memory_space<vmem>>, vector<2x128xf32>,
    %get3A_80 = arith.constant 0 : index
    %get3A_81 = arith.constant 0 : index
    %get3A_82 = vector.load %arg12[%get3A_80, %get3A_81] : memref<2x64xf32, #tpu.memory_space<vmem>>, vector<2x64xf32>
    %reduce_sum3A_83 = arith.constant dense<0.000000e+00> : vector<64xf32>
    %reduce_sum3A_84 = vector.multi_reduction <add>, %reshape3A_65, %reduce_sum3A_83 [0] : vector<8192x64xf32> to vector<64xf32>
    %broadcast_in_dim3A_85 = vector.shape_cast %reduce_sum3A_84 : vector<64xf32> to vector<1x64xf32>
    %mul3A_86 = arith.mulf %reshape3A_65, %reshape3A_65 : vector<8192x64xf32>
    %reduce_sum3A_87 = arith.constant dense<0.000000e+00> : vector<64xf32>
    %reduce_sum3A_88 = vector.multi_reduction <add>, %mul3A_86, %reduce_sum3A_87 [0] : vector<8192x64xf32> to vector<64xf32>
    %broadcast_in_dim3A_89 = vector.shape_cast %reduce_sum3A_88 : vector<64xf32> to vector<1x64xf32>
    %concatenate3A_90 = tpu.concatenate %broadcast_in_dim3A_85, %broadcast_in_dim3A_89 in 0 : vector<1x64xf32>, vector<1x64xf32> -> vector<2x64xf32>
    %add3A_91 = arith.addf %get3A_82, %concatenate3A_90 : vector<2x64xf32>
    %swap3A_92 = arith.constant 0 : index
    %swap3A_93 = arith.constant 0 : index
    %swap3A_94 = vector.load %arg12[%swap3A_92, %swap3A_93] : memref<2x64xf32, #tpu.memory_space<vmem>>, vector<2x64xf32>
    tpu.vector_store %arg12[%swap3A_92, %swap3A_93], %add3A_91 {strides = array<i32>} : memref<2x64xf32, #tpu.memory_space<vmem>>, vector<2x64xf32>,
    return
  }
  func.func @transform_0(%arg0: i32) -> (i32, i32, i32) {
    %c0_i32 = arith.constant 0 : i32
    %c0_i32_0 = arith.constant 0 : i32
    %c0_i32_1 = arith.constant 0 : i32
    return %arg0, %c0_i32, %c0_i32_0 : i32, i32, i32
  }
  func.func @transform_1(%arg0: i32) -> (i32, i32) {
    %c0_i32 = arith.constant 0 : i32
    %c0_i32_0 = arith.constant 0 : i32
    return %arg0, %c0_i32 : i32, i32
  }
  func.func @transform_2(%arg0: i32) -> (i32, i32) {
    %c0_i32 = arith.constant 0 : i32
    %c0_i32_0 = arith.constant 0 : i32
    return %arg0, %c0_i32 : i32, i32
  }
  func.func @transform_3(%arg0: i32) -> (i32, i32) {
    %c0_i32 = arith.constant 0 : i32
    %c0_i32_0 = arith.constant 0 : i32
    return %arg0, %c0_i32 : i32, i32
  }
  func.func @transform_4(%arg0: i32) -> (i32, i32) {
    %c0_i32 = arith.constant 0 : i32
    %c0_i32_0 = arith.constant 0 : i32
    %c0_i32_1 = arith.constant 0 : i32
    return %c0_i32, %c0_i32_0 : i32, i32
  }
  func.func @transform_5(%arg0: i32) -> (i32, i32) {
    %c0_i32 = arith.constant 0 : i32
    %c0_i32_0 = arith.constant 0 : i32
    %c0_i32_1 = arith.constant 0 : i32
    return %c0_i32, %c0_i32_0 : i32, i32
  }
  func.func @transform_6(%arg0: i32) -> (i32, i32) {
    %c0_i32 = arith.constant 0 : i32
    %c0_i32_0 = arith.constant 0 : i32
    %c0_i32_1 = arith.constant 0 : i32
    return %c0_i32, %c0_i32_0 : i32, i32
  }
  func.func @transform_7(%arg0: i32) -> (i32, i32) {
    %c0_i32 = arith.constant 0 : i32
    %c0_i32_0 = arith.constant 0 : i32
    %c0_i32_1 = arith.constant 0 : i32
    return %c0_i32, %c0_i32_0 : i32, i32
  }
  func.func @transform_8(%arg0: i32) -> (i32, i32, i32) {
    %c0_i32 = arith.constant 0 : i32
    %c0_i32_0 = arith.constant 0 : i32
    %c0_i32_1 = arith.constant 0 : i32
    return %arg0, %c0_i32, %c0_i32_0 : i32, i32, i32
  }
  func.func @transform_9(%arg0: i32) -> (i32, i32, i32) {
    %c0_i32 = arith.constant 0 : i32
    %c0_i32_0 = arith.constant 0 : i32
    %c0_i32_1 = arith.constant 0 : i32
    return %arg0, %c0_i32, %c0_i32_0 : i32, i32, i32
  }
  func.func @transform_10(%arg0: i32) -> (i32, i32) {
    %c0_i32 = arith.constant 0 : i32
    %c0_i32_0 = arith.constant 0 : i32
    %c0_i32_1 = arith.constant 0 : i32
    return %c0_i32, %c0_i32_0 : i32, i32
  }
  func.func @transform_11(%arg0: i32) -> (i32, i32) {
    %c0_i32 = arith.constant 0 : i32
    %c0_i32_0 = arith.constant 0 : i32
    %c0_i32_1 = arith.constant 0 : i32
    return %c0_i32, %c0_i32_0 : i32, i32
  }
}

module attributes {stable_mosaic.version = 14 : i64} {
  func.func @_addres_body(%arg0: i32, %arg1: memref<512x16x64xbf16, #tpu.memory_space<vmem>>, %arg2: memref<1x64xf32, #tpu.memory_space<vmem>>, %arg3: memref<1x64xf32, #tpu.memory_space<vmem>>, %arg4: memref<512x16x128xbf16, #tpu.memory_space<vmem>>, %arg5: memref<64x128xf32, #tpu.memory_space<vmem>>, %arg6: memref<512x16x128xbf16, #tpu.memory_space<vmem>>, %arg7: memref<2x128xf32, #tpu.memory_space<vmem>>) attributes {dimension_semantics = [#tpu.dimension_semantics<arbitrary>], iteration_bounds = array<i64: 16>, scalar_prefetch = 0 : i64, scratch_operands = 0 : i64, tpu.core_type = #tpu.core_type<tc>, window_params = [{transform_indices = @transform_0, window_bounds = array<i64: 512, 16, 64>}, {pipeline_mode = #tpu.pipeline_mode<synchronous>, transform_indices = @transform_1, window_bounds = array<i64: 1, 64>}, {pipeline_mode = #tpu.pipeline_mode<synchronous>, transform_indices = @transform_2, window_bounds = array<i64: 1, 64>}, {transform_indices = @transform_3, window_bounds = array<i64: 512, 16, 128>}, {pipeline_mode = #tpu.pipeline_mode<synchronous>, transform_indices = @transform_4, window_bounds = array<i64: 64, 128>}, {transform_indices = @transform_5, window_bounds = array<i64: 512, 16, 128>}, {pipeline_mode = #tpu.pipeline_mode<synchronous>, transform_indices = @transform_6, window_bounds = array<i64: 2, 128>}]} {
    %get3A = arith.constant 0 : index
    %get3A_0 = arith.constant 0 : index
    %get3A_1 = arith.constant 0 : index
    %get3A_2 = vector.load %arg1[%get3A, %get3A_0, %get3A_1] : memref<512x16x64xbf16, #tpu.memory_space<vmem>>, vector<512x16x64xbf16>
    %get3A_3 = arith.constant 0 : index
    %get3A_4 = arith.constant 0 : index
    %get3A_5 = vector.load %arg2[%get3A_3, %get3A_4] : memref<1x64xf32, #tpu.memory_space<vmem>>, vector<1x64xf32>
    %convert_element_type3A = arith.extf %get3A_2 : vector<512x16x64xbf16> to vector<512x16x64xf32>
    %broadcast_in_dim3A = vector.shape_cast %get3A_5 : vector<1x64xf32> to vector<1x1x64xf32>
    %mul3A = vector.broadcast %broadcast_in_dim3A : vector<1x1x64xf32> to vector<512x16x64xf32>
    %mul3A_6 = arith.mulf %convert_element_type3A, %mul3A : vector<512x16x64xf32>
    %get3A_7 = arith.constant 0 : index
    %get3A_8 = arith.constant 0 : index
    %get3A_9 = vector.load %arg3[%get3A_7, %get3A_8] : memref<1x64xf32, #tpu.memory_space<vmem>>, vector<1x64xf32>
    %broadcast_in_dim3A_10 = vector.shape_cast %get3A_9 : vector<1x64xf32> to vector<1x1x64xf32>
    %add3A = vector.broadcast %broadcast_in_dim3A_10 : vector<1x1x64xf32> to vector<512x16x64xf32>
    %add3A_11 = arith.addf %mul3A_6, %add3A : vector<512x16x64xf32>
    %max3A = arith.constant 0.000000e+00 : f32
    %max3A_12 = vector.broadcast %max3A : f32 to vector<512x16x64xf32>
    %max3A_13 = arith.maximumf %add3A_11, %max3A_12 : vector<512x16x64xf32>
    %reshape3A = vector.shape_cast %max3A_13 : vector<512x16x64xf32> to vector<8192x64xf32>
    %get3A_14 = arith.constant 0 : index
    %get3A_15 = arith.constant 0 : index
    %get3A_16 = vector.load %arg5[%get3A_14, %get3A_15] : memref<64x128xf32, #tpu.memory_space<vmem>>, vector<64x128xf32>
    %convert_element_type3A_17 = arith.truncf %reshape3A : vector<8192x64xf32> to vector<8192x64xbf16>
    %convert_element_type3A_18 = arith.truncf %get3A_16 : vector<64x128xf32> to vector<64x128xbf16>
    %dot_general3A = arith.constant dense<0.000000e+00> : vector<8192x128xf32>
    %dot_general3A_19 = tpu.matmul %convert_element_type3A_17, %convert_element_type3A_18, %dot_general3A {dimension_numbers = #tpu.dot_dimension_numbers<[1], [0], [0], [1], [0, 0, 1, 1], [], []>, transpose_lhs_hint = false} : vector<8192x64xbf16>, vector<64x128xbf16>, vector<8192x128xf32> -> vector<8192x128xf32>
    %get3A_20 = arith.constant 0 : index
    %get3A_21 = arith.constant 0 : index
    %get3A_22 = arith.constant 0 : index
    %get3A_23 = vector.load %arg4[%get3A_20, %get3A_21, %get3A_22] : memref<512x16x128xbf16, #tpu.memory_space<vmem>>, vector<512x16x128xbf16>
    %reshape3A_24 = vector.shape_cast %get3A_23 : vector<512x16x128xbf16> to vector<8192x128xbf16>
    %convert_element_type3A_25 = arith.extf %reshape3A_24 : vector<8192x128xbf16> to vector<8192x128xf32>
    %add3A_26 = arith.addf %dot_general3A_19, %convert_element_type3A_25 : vector<8192x128xf32>
    %reshape3A_27 = vector.shape_cast %add3A_26 : vector<8192x128xf32> to vector<512x16x128xf32>
    %convert_element_type3A_28 = arith.truncf %reshape3A_27 : vector<512x16x128xf32> to vector<512x16x128xbf16>
    %swap3A = arith.constant 0 : index
    %swap3A_29 = arith.constant 0 : index
    %swap3A_30 = arith.constant 0 : index
    %swap3A_31 = vector.load %arg6[%swap3A, %swap3A_29, %swap3A_30] : memref<512x16x128xbf16, #tpu.memory_space<vmem>>, vector<512x16x128xbf16>
    tpu.vector_store %arg6[%swap3A, %swap3A_29, %swap3A_30], %convert_element_type3A_28 {strides = array<i32>} : memref<512x16x128xbf16, #tpu.memory_space<vmem>>, vector<512x16x128xbf16>,
    %eq3A = arith.constant 0 : i32
    %eq3A_32 = arith.cmpi eq, %arg0, %eq3A : i32
    %convert_element_type3A_33 = arith.extui %eq3A_32 : i1 to i32
    %cond3A = arith.constant 0 : i32
    %cond3A_34 = arith.cmpi ne, %convert_element_type3A_33, %cond3A : i32
    scf.if %cond3A_34 {
      %broadcast_in_dim3A_48 = arith.constant 0.000000e+00 : f32
      %broadcast_in_dim3A_49 = vector.broadcast %broadcast_in_dim3A_48 : f32 to vector<2x128xf32>
      %swap3A_50 = arith.constant 0 : index
      %swap3A_51 = arith.constant 0 : index
      %swap3A_52 = vector.load %arg7[%swap3A_50, %swap3A_51] : memref<2x128xf32, #tpu.memory_space<vmem>>, vector<2x128xf32>
      tpu.vector_store %arg7[%swap3A_50, %swap3A_51], %broadcast_in_dim3A_49 {strides = array<i32>} : memref<2x128xf32, #tpu.memory_space<vmem>>, vector<2x128xf32>,
    } else {
    }
    %get3A_35 = arith.constant 0 : index
    %get3A_36 = arith.constant 0 : index
    %get3A_37 = vector.load %arg7[%get3A_35, %get3A_36] : memref<2x128xf32, #tpu.memory_space<vmem>>, vector<2x128xf32>
    %reduce_sum3A = arith.constant dense<0.000000e+00> : vector<128xf32>
    %reduce_sum3A_38 = vector.multi_reduction <add>, %add3A_26, %reduce_sum3A [0] : vector<8192x128xf32> to vector<128xf32>
    %broadcast_in_dim3A_39 = vector.shape_cast %reduce_sum3A_38 : vector<128xf32> to vector<1x128xf32>
    %mul3A_40 = arith.mulf %add3A_26, %add3A_26 : vector<8192x128xf32>
    %reduce_sum3A_41 = arith.constant dense<0.000000e+00> : vector<128xf32>
    %reduce_sum3A_42 = vector.multi_reduction <add>, %mul3A_40, %reduce_sum3A_41 [0] : vector<8192x128xf32> to vector<128xf32>
    %broadcast_in_dim3A_43 = vector.shape_cast %reduce_sum3A_42 : vector<128xf32> to vector<1x128xf32>
    %concatenate3A = tpu.concatenate %broadcast_in_dim3A_39, %broadcast_in_dim3A_43 in 0 : vector<1x128xf32>, vector<1x128xf32> -> vector<2x128xf32>
    %add3A_44 = arith.addf %get3A_37, %concatenate3A : vector<2x128xf32>
    %swap3A_45 = arith.constant 0 : index
    %swap3A_46 = arith.constant 0 : index
    %swap3A_47 = vector.load %arg7[%swap3A_45, %swap3A_46] : memref<2x128xf32, #tpu.memory_space<vmem>>, vector<2x128xf32>
    tpu.vector_store %arg7[%swap3A_45, %swap3A_46], %add3A_44 {strides = array<i32>} : memref<2x128xf32, #tpu.memory_space<vmem>>, vector<2x128xf32>,
    return
  }
  func.func @transform_0(%arg0: i32) -> (i32, i32, i32) {
    %c0_i32 = arith.constant 0 : i32
    %c0_i32_0 = arith.constant 0 : i32
    %c0_i32_1 = arith.constant 0 : i32
    return %arg0, %c0_i32, %c0_i32_0 : i32, i32, i32
  }
  func.func @transform_1(%arg0: i32) -> (i32, i32) {
    %c0_i32 = arith.constant 0 : i32
    %c0_i32_0 = arith.constant 0 : i32
    %c0_i32_1 = arith.constant 0 : i32
    return %c0_i32, %c0_i32_0 : i32, i32
  }
  func.func @transform_2(%arg0: i32) -> (i32, i32) {
    %c0_i32 = arith.constant 0 : i32
    %c0_i32_0 = arith.constant 0 : i32
    %c0_i32_1 = arith.constant 0 : i32
    return %c0_i32, %c0_i32_0 : i32, i32
  }
  func.func @transform_3(%arg0: i32) -> (i32, i32, i32) {
    %c0_i32 = arith.constant 0 : i32
    %c0_i32_0 = arith.constant 0 : i32
    %c0_i32_1 = arith.constant 0 : i32
    return %arg0, %c0_i32, %c0_i32_0 : i32, i32, i32
  }
  func.func @transform_4(%arg0: i32) -> (i32, i32) {
    %c0_i32 = arith.constant 0 : i32
    %c0_i32_0 = arith.constant 0 : i32
    %c0_i32_1 = arith.constant 0 : i32
    return %c0_i32, %c0_i32_0 : i32, i32
  }
  func.func @transform_5(%arg0: i32) -> (i32, i32, i32) {
    %c0_i32 = arith.constant 0 : i32
    %c0_i32_0 = arith.constant 0 : i32
    %c0_i32_1 = arith.constant 0 : i32
    return %arg0, %c0_i32, %c0_i32_0 : i32, i32, i32
  }
  func.func @transform_6(%arg0: i32) -> (i32, i32) {
    %c0_i32 = arith.constant 0 : i32
    %c0_i32_0 = arith.constant 0 : i32
    %c0_i32_1 = arith.constant 0 : i32
    return %c0_i32, %c0_i32_0 : i32, i32
  }
}

module attributes {stable_mosaic.version = 14 : i64} {
  func.func @_mm_body(%arg0: i32, %arg1: memref<512x16x128xbf16, #tpu.memory_space<vmem>>, %arg2: memref<1x128xf32, #tpu.memory_space<vmem>>, %arg3: memref<1x128xf32, #tpu.memory_space<vmem>>, %arg4: memref<128x64xf32, #tpu.memory_space<vmem>>, %arg5: memref<1x64xf32, #tpu.memory_space<vmem>>, %arg6: memref<512x16x64xbf16, #tpu.memory_space<vmem>>, %arg7: memref<2x64xf32, #tpu.memory_space<vmem>>) attributes {dimension_semantics = [#tpu.dimension_semantics<arbitrary>], iteration_bounds = array<i64: 16>, scalar_prefetch = 0 : i64, scratch_operands = 0 : i64, tpu.core_type = #tpu.core_type<tc>, window_params = [{transform_indices = @transform_0, window_bounds = array<i64: 512, 16, 128>}, {pipeline_mode = #tpu.pipeline_mode<synchronous>, transform_indices = @transform_1, window_bounds = array<i64: 1, 128>}, {pipeline_mode = #tpu.pipeline_mode<synchronous>, transform_indices = @transform_2, window_bounds = array<i64: 1, 128>}, {pipeline_mode = #tpu.pipeline_mode<synchronous>, transform_indices = @transform_3, window_bounds = array<i64: 128, 64>}, {pipeline_mode = #tpu.pipeline_mode<synchronous>, transform_indices = @transform_4, window_bounds = array<i64: 1, 64>}, {transform_indices = @transform_5, window_bounds = array<i64: 512, 16, 64>}, {pipeline_mode = #tpu.pipeline_mode<synchronous>, transform_indices = @transform_6, window_bounds = array<i64: 2, 64>}]} {
    %get3A = arith.constant 0 : index
    %get3A_0 = arith.constant 0 : index
    %get3A_1 = arith.constant 0 : index
    %get3A_2 = vector.load %arg1[%get3A, %get3A_0, %get3A_1] : memref<512x16x128xbf16, #tpu.memory_space<vmem>>, vector<512x16x128xbf16>
    %reshape3A = vector.shape_cast %get3A_2 : vector<512x16x128xbf16> to vector<8192x128xbf16>
    %get3A_3 = arith.constant 0 : index
    %get3A_4 = arith.constant 0 : index
    %get3A_5 = vector.load %arg2[%get3A_3, %get3A_4] : memref<1x128xf32, #tpu.memory_space<vmem>>, vector<1x128xf32>
    %convert_element_type3A = arith.extf %reshape3A : vector<8192x128xbf16> to vector<8192x128xf32>
    %mul3A = vector.broadcast %get3A_5 : vector<1x128xf32> to vector<8192x128xf32>
    %mul3A_6 = arith.mulf %convert_element_type3A, %mul3A : vector<8192x128xf32>
    %get3A_7 = arith.constant 0 : index
    %get3A_8 = arith.constant 0 : index
    %get3A_9 = vector.load %arg3[%get3A_7, %get3A_8] : memref<1x128xf32, #tpu.memory_space<vmem>>, vector<1x128xf32>
    %add3A = vector.broadcast %get3A_9 : vector<1x128xf32> to vector<8192x128xf32>
    %add3A_10 = arith.addf %mul3A_6, %add3A : vector<8192x128xf32>
    %max3A = arith.constant 0.000000e+00 : f32
    %max3A_11 = vector.broadcast %max3A : f32 to vector<8192x128xf32>
    %max3A_12 = arith.maximumf %add3A_10, %max3A_11 : vector<8192x128xf32>
    %get3A_13 = arith.constant 0 : index
    %get3A_14 = arith.constant 0 : index
    %get3A_15 = vector.load %arg4[%get3A_13, %get3A_14] : memref<128x64xf32, #tpu.memory_space<vmem>>, vector<128x64xf32>
    %convert_element_type3A_16 = arith.truncf %max3A_12 : vector<8192x128xf32> to vector<8192x128xbf16>
    %convert_element_type3A_17 = arith.truncf %get3A_15 : vector<128x64xf32> to vector<128x64xbf16>
    %dot_general3A = arith.constant dense<0.000000e+00> : vector<8192x64xf32>
    %dot_general3A_18 = tpu.matmul %convert_element_type3A_16, %convert_element_type3A_17, %dot_general3A {dimension_numbers = #tpu.dot_dimension_numbers<[1], [0], [0], [1], [0, 0, 1, 1], [], []>, transpose_lhs_hint = false} : vector<8192x128xbf16>, vector<128x64xbf16>, vector<8192x64xf32> -> vector<8192x64xf32>
    %get3A_19 = arith.constant 0 : index
    %get3A_20 = arith.constant 0 : index
    %get3A_21 = vector.load %arg5[%get3A_19, %get3A_20] : memref<1x64xf32, #tpu.memory_space<vmem>>, vector<1x64xf32>
    %add3A_22 = vector.broadcast %get3A_21 : vector<1x64xf32> to vector<8192x64xf32>
    %add3A_23 = arith.addf %dot_general3A_18, %add3A_22 : vector<8192x64xf32>
    %reshape3A_24 = vector.shape_cast %add3A_23 : vector<8192x64xf32> to vector<512x16x64xf32>
    %convert_element_type3A_25 = arith.truncf %reshape3A_24 : vector<512x16x64xf32> to vector<512x16x64xbf16>
    %swap3A = arith.constant 0 : index
    %swap3A_26 = arith.constant 0 : index
    %swap3A_27 = arith.constant 0 : index
    %swap3A_28 = vector.load %arg6[%swap3A, %swap3A_26, %swap3A_27] : memref<512x16x64xbf16, #tpu.memory_space<vmem>>, vector<512x16x64xbf16>
    tpu.vector_store %arg6[%swap3A, %swap3A_26, %swap3A_27], %convert_element_type3A_25 {strides = array<i32>} : memref<512x16x64xbf16, #tpu.memory_space<vmem>>, vector<512x16x64xbf16>,
    %eq3A = arith.constant 0 : i32
    %eq3A_29 = arith.cmpi eq, %arg0, %eq3A : i32
    %convert_element_type3A_30 = arith.extui %eq3A_29 : i1 to i32
    %cond3A = arith.constant 0 : i32
    %cond3A_31 = arith.cmpi ne, %convert_element_type3A_30, %cond3A : i32
    scf.if %cond3A_31 {
      %broadcast_in_dim3A_44 = arith.constant 0.000000e+00 : f32
      %broadcast_in_dim3A_45 = vector.broadcast %broadcast_in_dim3A_44 : f32 to vector<2x64xf32>
      %swap3A_46 = arith.constant 0 : index
      %swap3A_47 = arith.constant 0 : index
      %swap3A_48 = vector.load %arg7[%swap3A_46, %swap3A_47] : memref<2x64xf32, #tpu.memory_space<vmem>>, vector<2x64xf32>
      tpu.vector_store %arg7[%swap3A_46, %swap3A_47], %broadcast_in_dim3A_45 {strides = array<i32>} : memref<2x64xf32, #tpu.memory_space<vmem>>, vector<2x64xf32>,
    } else {
    }
    %get3A_32 = arith.constant 0 : index
    %get3A_33 = arith.constant 0 : index
    %get3A_34 = vector.load %arg7[%get3A_32, %get3A_33] : memref<2x64xf32, #tpu.memory_space<vmem>>, vector<2x64xf32>
    %reduce_sum3A = arith.constant dense<0.000000e+00> : vector<64xf32>
    %reduce_sum3A_35 = vector.multi_reduction <add>, %add3A_23, %reduce_sum3A [0] : vector<8192x64xf32> to vector<64xf32>
    %broadcast_in_dim3A = vector.shape_cast %reduce_sum3A_35 : vector<64xf32> to vector<1x64xf32>
    %mul3A_36 = arith.mulf %add3A_23, %add3A_23 : vector<8192x64xf32>
    %reduce_sum3A_37 = arith.constant dense<0.000000e+00> : vector<64xf32>
    %reduce_sum3A_38 = vector.multi_reduction <add>, %mul3A_36, %reduce_sum3A_37 [0] : vector<8192x64xf32> to vector<64xf32>
    %broadcast_in_dim3A_39 = vector.shape_cast %reduce_sum3A_38 : vector<64xf32> to vector<1x64xf32>
    %concatenate3A = tpu.concatenate %broadcast_in_dim3A, %broadcast_in_dim3A_39 in 0 : vector<1x64xf32>, vector<1x64xf32> -> vector<2x64xf32>
    %add3A_40 = arith.addf %get3A_34, %concatenate3A : vector<2x64xf32>
    %swap3A_41 = arith.constant 0 : index
    %swap3A_42 = arith.constant 0 : index
    %swap3A_43 = vector.load %arg7[%swap3A_41, %swap3A_42] : memref<2x64xf32, #tpu.memory_space<vmem>>, vector<2x64xf32>
    tpu.vector_store %arg7[%swap3A_41, %swap3A_42], %add3A_40 {strides = array<i32>} : memref<2x64xf32, #tpu.memory_space<vmem>>, vector<2x64xf32>,
    return
  }
  func.func @transform_0(%arg0: i32) -> (i32, i32, i32) {
    %c0_i32 = arith.constant 0 : i32
    %c0_i32_0 = arith.constant 0 : i32
    %c0_i32_1 = arith.constant 0 : i32
    return %arg0, %c0_i32, %c0_i32_0 : i32, i32, i32
  }
  func.func @transform_1(%arg0: i32) -> (i32, i32) {
    %c0_i32 = arith.constant 0 : i32
    %c0_i32_0 = arith.constant 0 : i32
    %c0_i32_1 = arith.constant 0 : i32
    return %c0_i32, %c0_i32_0 : i32, i32
  }
  func.func @transform_2(%arg0: i32) -> (i32, i32) {
    %c0_i32 = arith.constant 0 : i32
    %c0_i32_0 = arith.constant 0 : i32
    %c0_i32_1 = arith.constant 0 : i32
    return %c0_i32, %c0_i32_0 : i32, i32
  }
  func.func @transform_3(%arg0: i32) -> (i32, i32) {
    %c0_i32 = arith.constant 0 : i32
    %c0_i32_0 = arith.constant 0 : i32
    %c0_i32_1 = arith.constant 0 : i32
    return %c0_i32, %c0_i32_0 : i32, i32
  }
  func.func @transform_4(%arg0: i32) -> (i32, i32) {
    %c0_i32 = arith.constant 0 : i32
    %c0_i32_0 = arith.constant 0 : i32
    %c0_i32_1 = arith.constant 0 : i32
    return %c0_i32, %c0_i32_0 : i32, i32
  }
  func.func @transform_5(%arg0: i32) -> (i32, i32, i32) {
    %c0_i32 = arith.constant 0 : i32
    %c0_i32_0 = arith.constant 0 : i32
    %c0_i32_1 = arith.constant 0 : i32
    return %arg0, %c0_i32, %c0_i32_0 : i32, i32, i32
  }
  func.func @transform_6(%arg0: i32) -> (i32, i32) {
    %c0_i32 = arith.constant 0 : i32
    %c0_i32_0 = arith.constant 0 : i32
    %c0_i32_1 = arith.constant 0 : i32
    return %c0_i32, %c0_i32_0 : i32, i32
  }
}

module attributes {stable_mosaic.version = 14 : i64} {
  func.func @_smr_body(%arg0: i32, %arg1: memref<512x16x64xbf16, #tpu.memory_space<vmem>>, %arg2: memref<1x64xf32, #tpu.memory_space<vmem>>, %arg3: memref<1x64xf32, #tpu.memory_space<vmem>>, %arg4: memref<512x16x128xf32, #tpu.memory_space<vmem>>, %arg5: memref<512x64xf32, #tpu.memory_space<vmem>>) attributes {dimension_semantics = [#tpu.dimension_semantics<arbitrary>], iteration_bounds = array<i64: 16>, scalar_prefetch = 0 : i64, scratch_operands = 0 : i64, tpu.core_type = #tpu.core_type<tc>, window_params = [{transform_indices = @transform_0, window_bounds = array<i64: 512, 16, 64>}, {pipeline_mode = #tpu.pipeline_mode<synchronous>, transform_indices = @transform_1, window_bounds = array<i64: 1, 64>}, {pipeline_mode = #tpu.pipeline_mode<synchronous>, transform_indices = @transform_2, window_bounds = array<i64: 1, 64>}, {transform_indices = @transform_3, window_bounds = array<i64: 512, 16, 128>}, {transform_indices = @transform_4, window_bounds = array<i64: 512, 64>}]} {
    %get3A = arith.constant 0 : index
    %get3A_0 = arith.constant 0 : index
    %get3A_1 = arith.constant 0 : index
    %get3A_2 = vector.load %arg1[%get3A, %get3A_0, %get3A_1] : memref<512x16x64xbf16, #tpu.memory_space<vmem>>, vector<512x16x64xbf16>
    %get3A_3 = arith.constant 0 : index
    %get3A_4 = arith.constant 0 : index
    %get3A_5 = vector.load %arg2[%get3A_3, %get3A_4] : memref<1x64xf32, #tpu.memory_space<vmem>>, vector<1x64xf32>
    %convert_element_type3A = arith.extf %get3A_2 : vector<512x16x64xbf16> to vector<512x16x64xf32>
    %broadcast_in_dim3A = vector.shape_cast %get3A_5 : vector<1x64xf32> to vector<1x1x64xf32>
    %mul3A = vector.broadcast %broadcast_in_dim3A : vector<1x1x64xf32> to vector<512x16x64xf32>
    %mul3A_6 = arith.mulf %convert_element_type3A, %mul3A : vector<512x16x64xf32>
    %get3A_7 = arith.constant 0 : index
    %get3A_8 = arith.constant 0 : index
    %get3A_9 = vector.load %arg3[%get3A_7, %get3A_8] : memref<1x64xf32, #tpu.memory_space<vmem>>, vector<1x64xf32>
    %broadcast_in_dim3A_10 = vector.shape_cast %get3A_9 : vector<1x64xf32> to vector<1x1x64xf32>
    %add3A = vector.broadcast %broadcast_in_dim3A_10 : vector<1x1x64xf32> to vector<512x16x64xf32>
    %add3A_11 = arith.addf %mul3A_6, %add3A : vector<512x16x64xf32>
    %max3A = arith.constant 0.000000e+00 : f32
    %max3A_12 = vector.broadcast %max3A : f32 to vector<512x16x64xf32>
    %max3A_13 = arith.maximumf %add3A_11, %max3A_12 : vector<512x16x64xf32>
    %reduce_max3A = arith.constant dense<0xFF800000> : vector<512x64xf32>
    %reduce_max3A_14 = vector.multi_reduction <maximumf>, %max3A_13, %reduce_max3A [1] : vector<512x16x64xf32> to vector<512x64xf32>
    %broadcast_in_dim3A_15 = vector.shape_cast %reduce_max3A_14 : vector<512x64xf32> to vector<512x1x64xf32>
    %sub3A = vector.broadcast %broadcast_in_dim3A_15 : vector<512x1x64xf32> to vector<512x16x64xf32>
    %sub3A_16 = arith.subf %max3A_13, %sub3A : vector<512x16x64xf32>
    %exp3A = math.exp %sub3A_16 : vector<512x16x64xf32>
    %reduce_sum3A = arith.constant dense<0.000000e+00> : vector<512x64xf32>
    %reduce_sum3A_17 = vector.multi_reduction <add>, %exp3A, %reduce_sum3A [1] : vector<512x16x64xf32> to vector<512x64xf32>
    %broadcast_in_dim3A_18 = vector.shape_cast %reduce_sum3A_17 : vector<512x64xf32> to vector<512x1x64xf32>
    %div3A = vector.broadcast %broadcast_in_dim3A_18 : vector<512x1x64xf32> to vector<512x16x64xf32>
    %div3A_19 = arith.divf %exp3A, %div3A : vector<512x16x64xf32>
    %get3A_20 = arith.constant 0 : index
    %get3A_21 = arith.constant 0 : index
    %get3A_22 = arith.constant 0 : index
    %get3A_23 = vector.load %arg4[%get3A_20, %get3A_21, %get3A_22] : memref<512x16x128xf32, #tpu.memory_space<vmem>>, vector<512x16x128xf32>
    %slice3A = vector.extract_strided_slice %get3A_23 {offsets = [0, 0, 16], sizes = [512, 16, 64], strides = [1, 1, 1]} : vector<512x16x128xf32> to vector<512x16x64xf32>
    %mul3A_24 = arith.mulf %div3A_19, %slice3A : vector<512x16x64xf32>
    %reduce_sum3A_25 = arith.constant dense<0.000000e+00> : vector<512x64xf32>
    %reduce_sum3A_26 = vector.multi_reduction <add>, %mul3A_24, %reduce_sum3A_25 [1] : vector<512x16x64xf32> to vector<512x64xf32>
    %swap3A = arith.constant 0 : index
    %swap3A_27 = arith.constant 0 : index
    %swap3A_28 = vector.load %arg5[%swap3A, %swap3A_27] : memref<512x64xf32, #tpu.memory_space<vmem>>, vector<512x64xf32>
    tpu.vector_store %arg5[%swap3A, %swap3A_27], %reduce_sum3A_26 {strides = array<i32>} : memref<512x64xf32, #tpu.memory_space<vmem>>, vector<512x64xf32>,
    return
  }
  func.func @transform_0(%arg0: i32) -> (i32, i32, i32) {
    %c0_i32 = arith.constant 0 : i32
    %c0_i32_0 = arith.constant 0 : i32
    %c0_i32_1 = arith.constant 0 : i32
    return %arg0, %c0_i32, %c0_i32_0 : i32, i32, i32
  }
  func.func @transform_1(%arg0: i32) -> (i32, i32) {
    %c0_i32 = arith.constant 0 : i32
    %c0_i32_0 = arith.constant 0 : i32
    %c0_i32_1 = arith.constant 0 : i32
    return %c0_i32, %c0_i32_0 : i32, i32
  }
  func.func @transform_2(%arg0: i32) -> (i32, i32) {
    %c0_i32 = arith.constant 0 : i32
    %c0_i32_0 = arith.constant 0 : i32
    %c0_i32_1 = arith.constant 0 : i32
    return %c0_i32, %c0_i32_0 : i32, i32
  }
  func.func @transform_3(%arg0: i32) -> (i32, i32, i32) {
    %c0_i32 = arith.constant 0 : i32
    %c0_i32_0 = arith.constant 0 : i32
    %c0_i32_1 = arith.constant 0 : i32
    return %arg0, %c0_i32, %c0_i32_0 : i32, i32, i32
  }
  func.func @transform_4(%arg0: i32) -> (i32, i32) {
    %c0_i32 = arith.constant 0 : i32
    %c0_i32_0 = arith.constant 0 : i32
    return %arg0, %c0_i32 : i32, i32
  }
}

</mosaic_0001>

<sc_bundles>
// kernel: kernel.17.cloned.1.call-start
scs
__scs_entry_jumppad:
0x0: {  	(pc) =	sbr.rel $0x88, $3  }
0x1: {  	(tag) =	ssettag $0x0;
	lr =	simm.s32 $0x1  }
0x2: {  	[smem:$0x3F79] =	sst lr;
	_ =	strace $0xD0000000  }
0x3: {  	_ = 	snop  }
0x4: {  	_ = 	snop  }
0x5: {  	_ = 	snop  }
0x6: {  	_ = 	snop  }
0x7: {  	_ = 	snop  }
__scs_overlays_trampoline_lowered:
0x8: {  	[smem:$0x3F88] =	sst s0  }
0x9: {  	[smem:$0x3F89] =	sst s1  }
0xa: {  	[smem:$0x3F8A] =	sst s2  }
0xb: {  	[smem:$0x3F8B] =	sst s3  }
0xc: {  	[smem:$0x3F8C] =	sst s4  }
0xd: {  	[smem:$0x3F8D] =	sst s5  }
0xe: {  	[smem:$0x3F8E] =	sst s6  }
0xf: {  	[smem:$0x3F8F] =	sst s7  }
0x10: {  	[smem:$0x3F90] =	sst s8  }
0x11: {  	[smem:$0x3F91] =	sst s9;
	s0 =	simm.s32 @!p0 $0x0  }
0x12: {  	s1 =	sld [smem:$0x3F77];
	s0 =	simm.s32 @p0 $0x1  }
0x13: {  	[smem:$0x3F92] =	sst s0;
	s0 =	simm.s32 @!p1 $0x0  }
0x14: {  	s2 =	sld [smem:$0x3F76];
	s0 =	simm.s32 @p1 $0x1  }
0x15: {  	[smem:$0x3F93] =	sst s0;
	s0 =	simm.s32 @!p2 $0x0  }
0x16: {  	s3 =	sld [smem:$0x3FDB];
	s0 =	simm.s32 @p2 $0x1  }
0x17: {  	s4 =	simm.s32 $0x1BF5;
	[smem:$0x3F95] =	sst s0  }
0x18: {  	s0 =	sld [smem:$0x3F78];
	_ =	swait.ge [sflag:s4], $0x0  }
0x19: {  	s7 =	sld [smem:$0x3F79]  }
0x1a: {  	s8 =	sadd.s32 $0xFFFFE003, lr  }
0x1b: {  	s9 =	sadd.s32 $0xFFFFFEF7, lr;
	s5 =	simm.s32 $0xFFFFFFFF;
	p2 =	slt.u32 s8, $0xFFFFF086  }
0x1c: {  	p1 =	slt.u32 s9, $0xF7A;
	s5 =	simm.s32 @!p2 $0x0  }
0x1d: {  	s5 =	simm.s32 @p1 $0x1;
	p0 =	seq.s32 s7, s2  }
0x1e: {  	s7 =	smul.u32 @!p0 $0xF7A, s2;
	p2 =	seq.s32 @!p0 s5, $0x0  }
0x1f: {  	s9 =	smul.u32 $0xF7A, s1;
	s8 =	simm.s32 @!p0 $0x1BF5;
	p2 =	por !p2, p0  }
0x20: {  	[sflag:s8] =	ssyncset.s32 @!p0 $0xFFFFF086;
	s6 =	sadd.s32 @!p0 s3, s7;
	s7 =	simm.s32 @!p0 $0x108  }
0x21: {  	s3 =	sadd.s32 s3, s9;
	s6 =	sadd.s32 @!p0 $0x88, s6;
	s7 =	simm.s32 @p2 $0x1082  }
0x22: {  	[simem:s7], [sflag:s8] =	dma.local @!p0 [hbm:s6], $0xF7A  }
0x23: {  	s9 =	sor.u32 $0xD0000000, s2;
	s6 =	simm.s32 $0x108;
	_ =	swait.ge @!p0 [sflag:s8], $0x0  }
0x24: {  	s3 =	sadd.s32 $0x88, s3;
	s6 =	simm.s32 @!p1 $0x1082;
	[sflag:s4] =	ssyncset.s32 $0xFFFFF086  }
0x25: {  	[simem:s6], [sflag:s4] =	dma.local [hbm:s3], $0xF7A  }
0x26: {  	[smem:$0x3F79] =	sst s1;
	(tag) =	ssettag s2;
	_ =	strace s9  }
0x27: {  	s1 =	sld [smem:$0x3F89]  }
0x28: {  	s2 =	sld [smem:$0x3F8A]  }
0x29: {  	s4 =	sld [smem:$0x3F8C]  }
0x2a: {  	p0 =	seq.s32 s5, $0x0;
	s5 =	sld [smem:$0x3F8D]  }
0x2b: {  	s6 =	sld [smem:$0x3F8E]  }
0x2c: {  	s7 =	sld [smem:$0x3F8F]  }
0x2d: {  	s3 =	simm.s32 $0x108;
	s8 =	sld [smem:$0x3F90]  }
0x2e: {  	s3 =	simm.s32 @!p0 $0x1082;
	s9 =	sld [smem:$0x3F91]  }
0x2f: {  	lr =	sadd.s32 s0, s3;
	s0 =	sld [smem:$0x3F88]  }
0x30: {  	s3 =	sld [smem:$0x3F8B]  }
0x31: {  	[smem:$0x3F94] =	sst s10  }
0x32: {  	s10 =	sld [smem:$0x3F92];
	_ =	sdelay $0x3  }
0x33: {  	p0 =	seq.s32 s10, $0x1;
	s10 =	sld [smem:$0x3F94];
	_ =	sdelay $0x3  }
0x34: {  	[smem:$0x3F94] =	sst s10  }
0x35: {  	s10 =	sld [smem:$0x3F93];
	_ =	sdelay $0x3  }
0x36: {  	p1 =	seq.s32 s10, $0x1;
	s10 =	sld [smem:$0x3F94];
	_ =	sdelay $0x3  }
0x37: {  	[smem:$0x3F94] =	sst s10  }
0x38: {  	s10 =	sld [smem:$0x3F95]  }
0x39: {  	_ = 	snop;
	(pc) =	sbr.ind lr, $3  }
0x3a: {  	_ = 	snop  }
0x3b: {  	_ = 	snop  }
0x3c: {  	p2 =	seq.s32 s10, $0x1;
	s10 =	sld [smem:$0x3F94]  }
0x3d: {  	_ =	shalt  }
0x3e: {  	_ =	shalt  }
0x3f: {  	_ =	shalt  }
0x40: {  	_ =	shalt  }
0x41: {  	_ =	shalt  }
0x42: {  	_ =	shalt  }
0x43: {  	_ =	shalt  }
0x44: {  	_ =	shalt  }
0x45: {  	_ =	shalt  }
0x46: {  	_ =	shalt  }
0x47: {  	_ =	shalt  }
0x48: {  	_ =	shalt  }
0x49: {  	_ =	shalt  }
0x4a: {  	_ =	shalt  }
0x4b: {  	_ =	shalt  }
0x4c: {  	_ =	shalt  }
0x4d: {  	_ =	shalt  }
0x4e: {  	_ =	shalt  }
0x4f: {  	_ =	shalt  }
0x50: {  	_ =	shalt  }
0x51: {  	_ =	shalt  }
0x52: {  	_ =	shalt  }
0x53: {  	_ =	shalt  }
0x54: {  	_ =	shalt  }
0x55: {  	_ =	shalt  }
0x56: {  	_ =	shalt  }
0x57: {  	_ =	shalt  }
0x58: {  	_ =	shalt  }
0x59: {  	_ =	shalt  }
0x5a: {  	_ =	shalt  }
0x5b: {  	_ =	shalt  }
0x5c: {  	_ =	shalt  }
0x5d: {  	_ =	shalt  }
0x5e: {  	_ =	shalt  }
0x5f: {  	_ =	shalt  }
0x60: {  	_ =	shalt  }
0x61: {  	_ =	shalt  }
0x62: {  	_ =	shalt  }
0x63: {  	_ =	shalt  }
0x64: {  	_ =	shalt  }
0x65: {  	_ =	shalt  }
0x66: {  	_ =	shalt  }
0x67: {  	_ =	shalt  }
0x68: {  	_ =	shalt  }
0x69: {  	_ =	shalt  }
0x6a: {  	_ =	shalt  }
0x6b: {  	_ =	shalt  }
0x6c: {  	_ =	shalt  }
0x6d: {  	_ =	shalt  }
0x6e: {  	_ =	shalt  }
0x6f: {  	_ =	shalt  }
0x70: {  	_ =	shalt  }
0x71: {  	_ =	shalt  }
0x72: {  	_ =	shalt  }
0x73: {  	_ =	shalt  }
0x74: {  	_ =	shalt  }
0x75: {  	_ =	shalt  }
0x76: {  	_ =	shalt  }
0x77: {  	_ =	shalt  }
0x78: {  	_ =	shalt  }
0x79: {  	_ =	shalt  }
0x7a: {  	_ =	shalt  }
0x7b: {  	_ =	shalt  }
0x7c: {  	_ =	shalt  }
0x7d: {  	_ =	shalt  }
0x7e: {  	_ =	shalt  }
0x7f: {  	_ =	shalt  }
0x80: {  	_ =	shalt  }
0x81: {  	_ =	shalt  }
0x82: {  	_ =	shalt  }
0x83: {  	_ =	shalt  }
0x84: {  	_ =	shalt  }
0x85: {  	_ =	shalt  }
0x86: {  	_ =	shalt  }
0x87: {  	_ =	shalt  }
.Lfunc_end0:
.L_simem_size_0:
called_computation_lowered:
.L_overlay_start_0:
0x88: {  	s2 =	sld [smem:$0x3FD9]  }
0x89: {  	s3 =	sld [smem:$0x3FFE];
	_ =	sdelay $0x1  }
0x8a: {  	s1 =	srdreg.scid  }
0x8b: {  	s0 =	sand.u32 $0x1, s1  }
0x8c: {  	s17 =	sshll.u32 s0, $0xA;
	s2 =	sadd.s32 s3, s2  }
0x8d: {  	s2 =	sadd.s32 s2, s17  }
0x8e: {  	[smem:$0x3FA0] =	sst s2  }
0x8f: {  	_ = 	snop  }
0x90: {  	s2 =	sld [smem:$0x3FD0];
	(tm) =	ssettm $0x1  }
0x91: {  	s18 =	sld [smem:$0x3FFB];
	_ =	sdelay $0x3  }
0x92: {  	_ =	strace s18  }
0x93: {  	s3 =	sld [smem:$0x3FFC];
	_ =	sdelay $0x3  }
0x94: {  	_ =	strace s3  }
0x95: {  	s3 =	sld [smem:$0x3FFD];
	_ =	sdelay $0x3  }
0x96: {  	_ =	strace s3  }
0x97: {  	_ =	strace $0x8FFFFFFF  }
0x98: {  	s19 =	sld [smem:$0x3FDB];
	_ =	sdelay $0x1  }
0x99: {  	s4 =	simm.s32 $_scs_section_size  }
0x9a: {  	s5 =	simm.s32 $_size__tile_overlayer_lowered;
	s6 =	simm.s32 $_tile_overlayer_lowered  }
0x9b: {  	s22 =	simm.s32 $0x1BFF;
	s21 =	sshll.u32 s6, $0x1;
	s3 =	sadd.s32 s4, s19  }
0x9c: {  	s7 =	simm.s32 $0x0;
	s20 =	sshll.u32 s5, $0x1;
	s5 =	sadd.s32 s21, s3  }
0x9d: {  	[timem:s7], [sflag:s22] =	dma.local [hbm:s5], s20  }
0x9e: {  	_ =	swait.ge [sflag:s22], s20  }
0x9f: {  	s4 =	ssub.s32 $0x0, s20;
	[sflag:s22] =	ssyncset.done $0x0  }
0xa0: {  	[sflag:s22] =	ssyncadd.s32 s4;
	_ =	sdelay $0x1  }
0xa1: {  	s23 =	simm.s32 $0x1B8B  }
0xa2: {  	_ =	swait.ge [sflag:s23], $0x1  }
0xa3: {  	[sflag:s23] =	ssyncset.done $0x0  }
0xa4: {  	s25 =	simm.s32 $0x1B8E;
	s24 =	sld [smem:$0x3FFE];
	[sflag:s23] =	ssyncadd.s32 $0xFFFFFFFF  }
0xa5: {  	s26 =	simm.s32 $execute0_lowered;
	[smem:$0x3FD2] =	sst s25  }
0xa6: {  	s5 =	sshll.u32 s26, $0x1;
	_ =	strace $0x80000046;
	[dreg:$0x1] =	wrdreg $0xFFFFFFFF  }
0xa7: {  	s28 =	simm.s32 $_size_execute0_lowered;
	s3 =	sadd.s32 s3, s5;
	[dreg:$0x0] =	wrdreg $0x0  }
0xa8: {  	s5 =	sshll.u32 s28, $0x1;
	[dreg:$0x2] =	wrdreg s3  }
0xa9: {  	[dreg:$0x3] =	wrdreg s5  }
0xaa: {  	[dreg:$0x4] =	wrdreg $0xC0  }
0xab: {  	_ =	task [dreg:s7], $0x5FFFF  }
0xac: {  	[dreg:$0x1] =	wrdreg $0xFFFFFFFF  }
0xad: {  	[dreg:$0x0] =	wrdreg $0x60  }
0xae: {  	[dreg:$0x2] =	wrdreg s24  }
0xaf: {  	[dreg:$0x3] =	wrdreg s2  }
0xb0: {  	[dreg:$0x4] =	wrdreg $0x9  }
0xb1: {  	_ =	task.clear_ibuf [dreg:s7], $0x5FFFF;
	_ =	strace $0x90000046  }
0xb2: {  	s29 =	simm.s32 $0x9;
	_ =	strace $0x80000048  }
0xb3: {  	_ =	swait.ge [sflag:s29], $0x1  }
0xb4: {  	[sflag:s29] =	ssyncadd.s32 $0xFFFFFFFF  }
0xb5: {  	_ =	strace $0x90000048  }
0xb6: {  	_ =	sfence  }
0xb7: {  	s30 =	sld [smem:$0x0];
	_ =	sdelay $0x2  }
0xb8: {  	s31 =	sshll.u32 s1, $0xD;
	s1 =	sshrl.u32 s1, $0x2  }
0xb9: {  	s3 =	sand.u32 $0x4000, s31;
	s1 =	sadd.s32 s1, s30  }
0xba: {  	s0 =	sor.u32 s3, s0;
	s1 =	sshll.u32 s1, $0x11  }
0xbb: {  	s0 =	sor.u32 s1, s0  }
0xbc: {  	s0 =	sadd.s32 $0x8F2B, s0  }
0xbd: {  	[sflag:s0] =	ssyncadd.remote.s32 $0x1  }
0xbe: {  	_ =	sfence.sel $0xFFFF  }
0xbf: {  	[dreg:$0x0] =	wrdreg $0xFFFFFFFF;
	(pc) =	sbr.abs _section_cstart, $3  }
0xc0: {  	[dreg:$0x1] =	wrdreg $0xFFFFFFFF  }
0xc1: {  	_ =	task.clear_ibuf [dreg:s7], $0x2FFFF;
	_ =	strace $0x9FFFFFFF  }
0xc2: {  	(tm) =	ssettm $0x7FFFFFFF  }
0xc3: {  	_ =	shalt  }
tec
execute0_lowered:
.L_overlay_start_1:
0x0: {  	(tag) =	ssettag $0x1  }
0x1: {  	s4 =	rddreg [dreg:$0x0]  }
0x2: {  	s5 =	rddreg [dreg:$0x1]  }
0x3: {  	s0 =	rddreg [dreg:$0x2];
	s2 =	simm.s32 $0x0;
	s6 =	srdreg.scid  }
0x4: {  	s1 =	stileid.u32;
	s12 =	simm.s32 $0x6000;
	s13 =	simm.s32 $0x1  }
0x5: {  	s14 =	simm.s32 $0x2;
	s15 =	simm.s32 $0x1F80;
	s16 =	simm.s32 $0x0  }
0x6: {  	[smem:$0x7FF] =	sst s2;
	s3 =	sadd.s32 $0x2A800, s4;
	s8 =	sand.u32 $0x1, s6  }
0x7: {  	s29 =	sshll.u32 s1, $0x1;
	s9 =	sadd.s32 $0x4A800, s4;
	s11 =	sshll.u32 s1, $0x12  }
0x8: {  	_ =	strace $0x80000047;
	s30 =	ssub.s32 $0x2, s8;
	s6 =	sor.u32 s8, s29  }
0x9: {  	s8 =	sshll.u32 s8, $0x11;
	s7 =	sshrl.u32 s30, $0x1;
	s10 =	sshll.u32 s6, $0xA  }
0xa: {  	s6 =	sshll.u32 s6, $0x11;
	s7 =	ssub.s32 s30, s7;
	s4 =	sadd.s32 s5, s10  }
0xb: {  	s31 =	sadd.s32 s9, s6;
	s9 =	sadd.s32 s11, s9;
	s10 =	simm.s32 $0x80  }
0xc: {  	s11 =	simm.s32 $0x2000;
	s5 =	smax.u32 s7, $0x1;
	s6 =	sadd.s32 $0x1F000, s31  }
0xd: {  	s7 =	sadd.s32 $0x1F800, s31;
	s8 =	sadd.s32 s8, s9;
	s9 =	simm.s32 $0x3  }
.LBB2_1:
0xe: {  	[tilespmem:s2], [sflag:$0x3] =	stream.linear.gather [hbm4b:s4+s2], $0x2000, $0x38;
	[tilespmem:$0xA000] =	vst v63  }
0xf: {  	_ =	swait.ge [sflag:s9], $0x2000  }
0x10: {  	[sflag:s9] =	ssyncset.done $0x0  }
0x11: {  	[sflag:s9] =	ssyncadd.s32 $0xFFFFE000  }
0x12: {  	[tilespmem:s11], [sflag:$0x1] =	stream.indirect.gather [hbm4b:s3+s10], $0x80, s2, s10, $0xb8;
	[tilespmem:$0xA000] =	vst v63  }
0x13: {  	s17 =	simm.s32 $0x80  }
0x14: {  	[tilespmem:s12], [sflag:$0x2] =	stream.indirect.gather [hbm4b:s3+s10], $0x80, s17, s10, $0xb8;
	[tilespmem:$0xA000] =	vst v63  }
0x15: {  	_ =	swait.ge [sflag:s13], $0x4000  }
0x16: {  	[sflag:s13] =	ssyncset.done $0x0  }
0x17: {  	s31 =	sadd.s32 $0x0, s8;
	[sflag:s13] =	ssyncadd.s32 $0xFFFFC000  }
0x18: {  	[hbm4b:s31+s2] =	stream.linear.scatter [tilespmem:s11], [sflag:$0x3], $0x4000, $0x38;
	[tilespmem:$0xA000] =	vst v63  }
0x19: {  	_ =	swait.ge [sflag:s9], $0x4000  }
0x1a: {  	[sflag:s9] =	ssyncset.done $0x0  }
0x1b: {  	s18 =	simm.s32 $0x100;
	[sflag:s9] =	ssyncadd.s32 $0xFFFFC000  }
0x1c: {  	[tilespmem:s11], [sflag:$0x1] =	stream.indirect.gather [hbm4b:s3+s10], $0x80, s18, s10, $0xb8;
	[tilespmem:$0xA000] =	vst v63  }
0x1d: {  	_ =	swait.ge [sflag:s14], $0x4000  }
0x1e: {  	[sflag:s14] =	ssyncset.done $0x0  }
0x1f: {  	s17 =	sadd.s32 $0x800, s31;
	[sflag:s14] =	ssyncadd.s32 $0xFFFFC000  }
0x20: {  	[hbm4b:s17+s2] =	stream.linear.scatter [tilespmem:s12], [sflag:$0x3], $0x4000, $0x38;
	[tilespmem:$0xA000] =	vst v63  }
0x21: {  	s19 =	simm.s32 $0x2000;
	_ =	swait.ge [sflag:s9], $0x4000  }
0x22: {  	s18 =	simm.s32 $0x1000;
	s17 =	simm.s32 $0x200;
	[sflag:s9] =	ssyncset.done $0x0  }
.LBB2_2:
0x23: {  	p0 =	sne.s32 s19, $0x1E000;
	s20 =	sadd.s32 $0xFFFFFF80, s17;
	[sflag:s9] =	ssyncadd.s32 $0xFFFFC000  }
0x24: {  	[tilespmem:s12], [sflag:$0x2] =	stream.indirect.gather [hbm4b:s3+s10], $0x80, s20, s10, $0xb8;
	[tilespmem:$0xA000] =	vst v63  }
0x25: {  	s20 =	smov.u32 s19;
	s19 =	sadd.s32 $0x1000, s19;
	_ =	swait.ge [sflag:s13], $0x4000  }
0x26: {  	[sflag:s13] =	ssyncset.done $0x0  }
0x27: {  	s21 =	sadd.s32 s18, s8;
	s18 =	smov.u32 s20;
	[sflag:s13] =	ssyncadd.s32 $0xFFFFC000  }
0x28: {  	[hbm4b:s21+s2] =	stream.linear.scatter [tilespmem:s11], [sflag:$0x3], $0x4000, $0x38;
	[tilespmem:$0xA000] =	vst v63  }
0x29: {  	_ =	swait.ge [sflag:s9], $0x4000  }
0x2a: {  	[sflag:s9] =	ssyncset.done $0x0  }
0x2b: {  	[sflag:s9] =	ssyncadd.s32 $0xFFFFC000  }
0x2c: {  	[tilespmem:s11], [sflag:$0x1] =	stream.indirect.gather [hbm4b:s3+s10], $0x80, s17, s10, $0xb8;
	[tilespmem:$0xA000] =	vst v63  }
0x2d: {  	_ =	swait.ge [sflag:s14], $0x4000  }
.Ltmp0:
0x2e: {  	[sflag:s14] =	ssyncset.done $0x0;
	(pc) =	sbr.rel @p0 .LBB2_2-.Ltmp0, $4  }
0x2f: {  	s20 =	sadd.s32 $0x800, s21;
	[sflag:s14] =	ssyncadd.s32 $0xFFFFC000  }
0x30: {  	[hbm4b:s20+s2] =	stream.linear.scatter [tilespmem:s12], [sflag:$0x3], $0x4000, $0x38;
	[tilespmem:$0xA000] =	vst v63  }
0x31: {  	_ =	swait.ge [sflag:s9], $0x4000  }
0x32: {  	s17 =	sadd.s32 $0x100, s17;
	[sflag:s9] =	ssyncset.done $0x0  }
0x33: {  	s19 =	sadd.s32 $0xFFFFFF80, s17;
	[sflag:s9] =	ssyncadd.s32 $0xFFFFC000  }
0x34: {  	[tilespmem:s12], [sflag:$0x2] =	stream.indirect.gather [hbm4b:s3+s10], $0x80, s19, s10, $0xb8;
	[tilespmem:$0xA000] =	vst v63  }
0x35: {  	_ =	swait.ge [sflag:s13], $0x4000  }
0x36: {  	[sflag:s13] =	ssyncset.done $0x0  }
0x37: {  	s18 =	sadd.s32 s18, s8;
	[sflag:s13] =	ssyncadd.s32 $0xFFFFC000  }
0x38: {  	[hbm4b:s18+s2] =	stream.linear.scatter [tilespmem:s11], [sflag:$0x3], $0x4000, $0x38;
	[tilespmem:$0xA000] =	vst v63  }
0x39: {  	_ =	swait.ge [sflag:s9], $0x4000  }
0x3a: {  	[sflag:s9] =	ssyncset.done $0x0  }
0x3b: {  	[sflag:s9] =	ssyncadd.s32 $0xFFFFC000  }
0x3c: {  	[tilespmem:s11], [sflag:$0x1] =	stream.indirect.gather [hbm4b:s3+s10], $0x80, s17, s10, $0xb8;
	[tilespmem:$0xA000] =	vst v63  }
0x3d: {  	_ =	swait.ge [sflag:s14], $0x4000  }
0x3e: {  	[sflag:s14] =	ssyncset.done $0x0  }
0x3f: {  	s31 =	sadd.s32 $0x800, s18;
	[sflag:s14] =	ssyncadd.s32 $0xFFFFC000  }
0x40: {  	[hbm4b:s31+s2] =	stream.linear.scatter [tilespmem:s12], [sflag:$0x3], $0x4000, $0x38;
	[tilespmem:$0xA000] =	vst v63  }
0x41: {  	_ =	swait.ge [sflag:s9], $0x4000  }
0x42: {  	[sflag:s9] =	ssyncset.done $0x0  }
0x43: {  	[sflag:s9] =	ssyncadd.s32 $0xFFFFC000  }
0x44: {  	[tilespmem:s12], [sflag:$0x2] =	stream.indirect.gather [hbm4b:s3+s10], $0x80, s15, s10, $0xb8;
	[tilespmem:$0xA000] =	vst v63  }
0x45: {  	_ =	swait.ge [sflag:s13], $0x4000  }
0x46: {  	[sflag:s13] =	ssyncset.done $0x0  }
0x47: {  	[sflag:s13] =	ssyncadd.s32 $0xFFFFC000  }
0x48: {  	[hbm4b:s6+s2] =	stream.linear.scatter [tilespmem:s11], [sflag:$0x3], $0x4000, $0x38;
	[tilespmem:$0xA000] =	vst v63  }
0x49: {  	_ =	swait.ge [sflag:s9], $0x4000  }
0x4a: {  	[sflag:s9] =	ssyncset.done $0x0  }
0x4b: {  	[sflag:s9] =	ssyncadd.s32 $0xFFFFC000  }
0x4c: {  	s16 =	sadd.s32 $0x1, s16;
	_ =	swait.ge [sflag:s14], $0x4000  }
0x4d: {  	p0 =	sne.s32 s16, s5;
	[sflag:s14] =	ssyncset.done $0x0  }
.Ltmp1:
0x4e: {  	[sflag:s14] =	ssyncadd.s32 $0xFFFFC000;
	(pc) =	sbr.rel @p0 .LBB2_1-.Ltmp1, $4  }
0x4f: {  	[hbm4b:s7+s2] =	stream.linear.scatter [tilespmem:s12], [sflag:$0x3], $0x4000, $0x38;
	[tilespmem:$0xA000] =	vst v63  }
0x50: {  	_ =	swait.ge [sflag:s9], $0x4000  }
0x51: {  	[sflag:s9] =	ssyncset.done $0x0  }
0x52: {  	[sflag:s9] =	ssyncadd.s32 $0xFFFFC000  }
0x53: {  	_ =	sfence.sel $0x180000  }
0x54: {  	[bflag:$0x0] =	sbarrier.arrive $0xFFFF  }
0x55: {  	p0 =	sne.s32 s1, $0x0;
	_ =	strace $0x90000047  }
0x56: {  	s0 =	sadd.s32 @!p0 $0x100000, s0;
	[bflag:$0x2] =	sbarrier.arrive $0xFFFF  }
0x57: {  	[sflag:s0] =	ssyncadd.tile.s32 @!p0 $0x1;
	_ =	shalt  }
.Lfunc_end2:
_tile_overlayer_lowered:
.L_overlay_start_2:
0x58: {  	(tag) =	ssettag $0x2  }
0x59: {  	s0 =	rddreg [dreg:$0x0];
	s2 =	stileid.u32  }
0x5a: {  	s1 =	rddreg [dreg:$0x1];
	p0 =	sne.s32 s2, $0x0  }
0x5b: {  	s3 =	rddreg [dreg:$0x2];
	[bflag:$0x3] =	sbarrier.arrive $0xFFFF;
	s2 =	simm.s32 @!p0 $0x1C03  }
0x5c: {  	[timem:s3], [sflag:s2] =	dma.local @!p0 [hbm:s0], s1  }
0x5d: {  	s0 =	simm.s32 @!p0 $0x3  }
0x5e: {  	_ =	swait.ge @!p0 [sflag:s0], s1  }
0x5f: {  	s1 =	ssub.s32 @!p0 $0x0, s1;
	[sflag:s0] =	ssyncset.done @!p0 $0x0  }
0x60: {  	[sflag:s0] =	ssyncadd.s32 @!p0 s1  }
0x61: {  	[bflag:$0x3] =	sbarrier.arrive $0xFFFF  }
0x62: {  	_ =	shalt  }

// kernel: kernel.20.cloned.1.call-start
scs
__scs_entry_jumppad:
0x0: {  	(pc) =	sbr.rel $0x88, $3  }
0x1: {  	(tag) =	ssettag $0x0;
	lr =	simm.s32 $0x1  }
0x2: {  	[smem:$0x3F79] =	sst lr;
	_ =	strace $0xD0000000  }
0x3: {  	_ = 	snop  }
0x4: {  	_ = 	snop  }
0x5: {  	_ = 	snop  }
0x6: {  	_ = 	snop  }
0x7: {  	_ = 	snop  }
__scs_overlays_trampoline_lowered:
0x8: {  	[smem:$0x3F88] =	sst s0  }
0x9: {  	[smem:$0x3F89] =	sst s1  }
0xa: {  	[smem:$0x3F8A] =	sst s2  }
0xb: {  	[smem:$0x3F8B] =	sst s3  }
0xc: {  	[smem:$0x3F8C] =	sst s4  }
0xd: {  	[smem:$0x3F8D] =	sst s5  }
0xe: {  	[smem:$0x3F8E] =	sst s6  }
0xf: {  	[smem:$0x3F8F] =	sst s7  }
0x10: {  	[smem:$0x3F90] =	sst s8  }
0x11: {  	[smem:$0x3F91] =	sst s9;
	s0 =	simm.s32 @!p0 $0x0  }
0x12: {  	s1 =	sld [smem:$0x3F77];
	s0 =	simm.s32 @p0 $0x1  }
0x13: {  	[smem:$0x3F92] =	sst s0;
	s0 =	simm.s32 @!p1 $0x0  }
0x14: {  	s2 =	sld [smem:$0x3F76];
	s0 =	simm.s32 @p1 $0x1  }
0x15: {  	[smem:$0x3F93] =	sst s0;
	s0 =	simm.s32 @!p2 $0x0  }
0x16: {  	s3 =	sld [smem:$0x3FDB];
	s0 =	simm.s32 @p2 $0x1  }
0x17: {  	s4 =	simm.s32 $0x1BF5;
	[smem:$0x3F95] =	sst s0  }
0x18: {  	s0 =	sld [smem:$0x3F78];
	_ =	swait.ge [sflag:s4], $0x0  }
0x19: {  	s7 =	sld [smem:$0x3F79]  }
0x1a: {  	s8 =	sadd.s32 $0xFFFFE003, lr  }
0x1b: {  	s9 =	sadd.s32 $0xFFFFFEF7, lr;
	s5 =	simm.s32 $0xFFFFFFFF;
	p2 =	slt.u32 s8, $0xFFFFF086  }
0x1c: {  	p1 =	slt.u32 s9, $0xF7A;
	s5 =	simm.s32 @!p2 $0x0  }
0x1d: {  	s5 =	simm.s32 @p1 $0x1;
	p0 =	seq.s32 s7, s2  }
0x1e: {  	s7 =	smul.u32 @!p0 $0xF7A, s2;
	p2 =	seq.s32 @!p0 s5, $0x0  }
0x1f: {  	s9 =	smul.u32 $0xF7A, s1;
	s8 =	simm.s32 @!p0 $0x1BF5;
	p2 =	por !p2, p0  }
0x20: {  	[sflag:s8] =	ssyncset.s32 @!p0 $0xFFFFF086;
	s6 =	sadd.s32 @!p0 s3, s7;
	s7 =	simm.s32 @!p0 $0x108  }
0x21: {  	s3 =	sadd.s32 s3, s9;
	s6 =	sadd.s32 @!p0 $0x88, s6;
	s7 =	simm.s32 @p2 $0x1082  }
0x22: {  	[simem:s7], [sflag:s8] =	dma.local @!p0 [hbm:s6], $0xF7A  }
0x23: {  	s9 =	sor.u32 $0xD0000000, s2;
	s6 =	simm.s32 $0x108;
	_ =	swait.ge @!p0 [sflag:s8], $0x0  }
0x24: {  	s3 =	sadd.s32 $0x88, s3;
	s6 =	simm.s32 @!p1 $0x1082;
	[sflag:s4] =	ssyncset.s32 $0xFFFFF086  }
0x25: {  	[simem:s6], [sflag:s4] =	dma.local [hbm:s3], $0xF7A  }
0x26: {  	[smem:$0x3F79] =	sst s1;
	(tag) =	ssettag s2;
	_ =	strace s9  }
0x27: {  	s1 =	sld [smem:$0x3F89]  }
0x28: {  	s2 =	sld [smem:$0x3F8A]  }
0x29: {  	s4 =	sld [smem:$0x3F8C]  }
0x2a: {  	p0 =	seq.s32 s5, $0x0;
	s5 =	sld [smem:$0x3F8D]  }
0x2b: {  	s6 =	sld [smem:$0x3F8E]  }
0x2c: {  	s7 =	sld [smem:$0x3F8F]  }
0x2d: {  	s3 =	simm.s32 $0x108;
	s8 =	sld [smem:$0x3F90]  }
0x2e: {  	s3 =	simm.s32 @!p0 $0x1082;
	s9 =	sld [smem:$0x3F91]  }
0x2f: {  	lr =	sadd.s32 s0, s3;
	s0 =	sld [smem:$0x3F88]  }
0x30: {  	s3 =	sld [smem:$0x3F8B]  }
0x31: {  	[smem:$0x3F94] =	sst s10  }
0x32: {  	s10 =	sld [smem:$0x3F92];
	_ =	sdelay $0x3  }
0x33: {  	p0 =	seq.s32 s10, $0x1;
	s10 =	sld [smem:$0x3F94];
	_ =	sdelay $0x3  }
0x34: {  	[smem:$0x3F94] =	sst s10  }
0x35: {  	s10 =	sld [smem:$0x3F93];
	_ =	sdelay $0x3  }
0x36: {  	p1 =	seq.s32 s10, $0x1;
	s10 =	sld [smem:$0x3F94];
	_ =	sdelay $0x3  }
0x37: {  	[smem:$0x3F94] =	sst s10  }
0x38: {  	s10 =	sld [smem:$0x3F95]  }
0x39: {  	_ = 	snop;
	(pc) =	sbr.ind lr, $3  }
0x3a: {  	_ = 	snop  }
0x3b: {  	_ = 	snop  }
0x3c: {  	p2 =	seq.s32 s10, $0x1;
	s10 =	sld [smem:$0x3F94]  }
0x3d: {  	_ =	shalt  }
0x3e: {  	_ =	shalt  }
0x3f: {  	_ =	shalt  }
0x40: {  	_ =	shalt  }
0x41: {  	_ =	shalt  }
0x42: {  	_ =	shalt  }
0x43: {  	_ =	shalt  }
0x44: {  	_ =	shalt  }
0x45: {  	_ =	shalt  }
0x46: {  	_ =	shalt  }
0x47: {  	_ =	shalt  }
0x48: {  	_ =	shalt  }
0x49: {  	_ =	shalt  }
0x4a: {  	_ =	shalt  }
0x4b: {  	_ =	shalt  }
0x4c: {  	_ =	shalt  }
0x4d: {  	_ =	shalt  }
0x4e: {  	_ =	shalt  }
0x4f: {  	_ =	shalt  }
0x50: {  	_ =	shalt  }
0x51: {  	_ =	shalt  }
0x52: {  	_ =	shalt  }
0x53: {  	_ =	shalt  }
0x54: {  	_ =	shalt  }
0x55: {  	_ =	shalt  }
0x56: {  	_ =	shalt  }
0x57: {  	_ =	shalt  }
0x58: {  	_ =	shalt  }
0x59: {  	_ =	shalt  }
0x5a: {  	_ =	shalt  }
0x5b: {  	_ =	shalt  }
0x5c: {  	_ =	shalt  }
0x5d: {  	_ =	shalt  }
0x5e: {  	_ =	shalt  }
0x5f: {  	_ =	shalt  }
0x60: {  	_ =	shalt  }
0x61: {  	_ =	shalt  }
0x62: {  	_ =	shalt  }
0x63: {  	_ =	shalt  }
0x64: {  	_ =	shalt  }
0x65: {  	_ =	shalt  }
0x66: {  	_ =	shalt  }
0x67: {  	_ =	shalt  }
0x68: {  	_ =	shalt  }
0x69: {  	_ =	shalt  }
0x6a: {  	_ =	shalt  }
0x6b: {  	_ =	shalt  }
0x6c: {  	_ =	shalt  }
0x6d: {  	_ =	shalt  }
0x6e: {  	_ =	shalt  }
0x6f: {  	_ =	shalt  }
0x70: {  	_ =	shalt  }
0x71: {  	_ =	shalt  }
0x72: {  	_ =	shalt  }
0x73: {  	_ =	shalt  }
0x74: {  	_ =	shalt  }
0x75: {  	_ =	shalt  }
0x76: {  	_ =	shalt  }
0x77: {  	_ =	shalt  }
0x78: {  	_ =	shalt  }
0x79: {  	_ =	shalt  }
0x7a: {  	_ =	shalt  }
0x7b: {  	_ =	shalt  }
0x7c: {  	_ =	shalt  }
0x7d: {  	_ =	shalt  }
0x7e: {  	_ =	shalt  }
0x7f: {  	_ =	shalt  }
0x80: {  	_ =	shalt  }
0x81: {  	_ =	shalt  }
0x82: {  	_ =	shalt  }
0x83: {  	_ =	shalt  }
0x84: {  	_ =	shalt  }
0x85: {  	_ =	shalt  }
0x86: {  	_ =	shalt  }
0x87: {  	_ =	shalt  }
.Lfunc_end0:
.L_simem_size_0:
called_computation.1_lowered:
.L_overlay_start_0:
0x88: {  	s2 =	sld [smem:$0x3FD9]  }
0x89: {  	s3 =	sld [smem:$0x3FFE];
	_ =	sdelay $0x1  }
0x8a: {  	s1 =	srdreg.scid  }
0x8b: {  	s0 =	sand.u32 $0x1, s1  }
0x8c: {  	s16 =	sshll.u32 s0, $0xA;
	s2 =	sadd.s32 s3, s2  }
0x8d: {  	s2 =	sadd.s32 s2, s16  }
0x8e: {  	[smem:$0x3FA0] =	sst s2  }
0x8f: {  	_ = 	snop  }
0x90: {  	(tm) =	ssettm $0x1  }
0x91: {  	s17 =	sld [smem:$0x3FFB];
	_ =	sdelay $0x3  }
0x92: {  	_ =	strace s17  }
0x93: {  	s2 =	sld [smem:$0x3FFC];
	_ =	sdelay $0x3  }
0x94: {  	_ =	strace s2  }
0x95: {  	s2 =	sld [smem:$0x3FFD];
	_ =	sdelay $0x3  }
0x96: {  	_ =	strace s2  }
0x97: {  	_ =	strace $0x8FFFFFFF  }
0x98: {  	s18 =	sld [smem:$0x3FDB];
	_ =	sdelay $0x1  }
0x99: {  	s19 =	simm.s32 $_scs_section_size  }
0x9a: {  	s4 =	simm.s32 $_size__tile_overlayer_lowered;
	s5 =	simm.s32 $_tile_overlayer_lowered  }
0x9b: {  	s22 =	simm.s32 $0x1BFF;
	s21 =	sshll.u32 s5, $0x1;
	s2 =	sadd.s32 s19, s18  }
0x9c: {  	s6 =	simm.s32 $0x0;
	s20 =	sshll.u32 s4, $0x1;
	s4 =	sadd.s32 s21, s2  }
0x9d: {  	[timem:s6], [sflag:s22] =	dma.local [hbm:s4], s20  }
0x9e: {  	_ =	swait.ge [sflag:s22], s20  }
0x9f: {  	s3 =	ssub.s32 $0x0, s20;
	[sflag:s22] =	ssyncset.done $0x0  }
0xa0: {  	[sflag:s22] =	ssyncadd.s32 s3;
	_ =	sdelay $0x1  }
0xa1: {  	s23 =	simm.s32 $0x1B8B  }
0xa2: {  	_ =	swait.ge [sflag:s23], $0x1  }
0xa3: {  	[sflag:s23] =	ssyncset.done $0x0  }
0xa4: {  	s25 =	simm.s32 $0x1B8E;
	s24 =	sld [smem:$0x3FFE];
	[sflag:s23] =	ssyncadd.s32 $0xFFFFFFFF  }
0xa5: {  	s26 =	simm.s32 $execute0_lowered;
	[smem:$0x3FD2] =	sst s25  }
0xa6: {  	s4 =	sshll.u32 s26, $0x1;
	_ =	strace $0x80000049;
	[dreg:$0x1] =	wrdreg $0xFFFFFFFF  }
0xa7: {  	s28 =	simm.s32 $_size_execute0_lowered;
	s2 =	sadd.s32 s2, s4;
	[dreg:$0x0] =	wrdreg $0x0  }
0xa8: {  	s4 =	sshll.u32 s28, $0x1;
	[dreg:$0x2] =	wrdreg s2  }
0xa9: {  	[dreg:$0x3] =	wrdreg s4  }
0xaa: {  	[dreg:$0x4] =	wrdreg $0xC0  }
0xab: {  	_ =	task [dreg:s6], $0x5FFFF  }
0xac: {  	[dreg:$0x1] =	wrdreg $0xFFFFFFFF  }
0xad: {  	[dreg:$0x0] =	wrdreg $0x60  }
0xae: {  	[dreg:$0x2] =	wrdreg s24  }
0xaf: {  	[dreg:$0x3] =	wrdreg $0x9  }
0xb0: {  	_ =	task.clear_ibuf [dreg:s6], $0x4FFFF;
	_ =	strace $0x90000049  }
0xb1: {  	s29 =	simm.s32 $0x9;
	_ =	strace $0x8000004B  }
0xb2: {  	_ =	swait.ge [sflag:s29], $0x1  }
0xb3: {  	[sflag:s29] =	ssyncadd.s32 $0xFFFFFFFF  }
0xb4: {  	_ =	strace $0x9000004B  }
0xb5: {  	_ =	sfence  }
0xb6: {  	s30 =	sld [smem:$0x0];
	_ =	sdelay $0x2  }
0xb7: {  	s31 =	sshll.u32 s1, $0xD;
	s1 =	sshrl.u32 s1, $0x2  }
0xb8: {  	s3 =	sand.u32 $0x4000, s31;
	s1 =	sadd.s32 s1, s30  }
0xb9: {  	s0 =	sor.u32 s3, s0;
	s1 =	sshll.u32 s1, $0x11  }
0xba: {  	s0 =	sor.u32 s1, s0  }
0xbb: {  	s0 =	sadd.s32 $0x8F2B, s0  }
0xbc: {  	[sflag:s0] =	ssyncadd.remote.s32 $0x1  }
0xbd: {  	_ =	sfence.sel $0xFFFF  }
0xbe: {  	[dreg:$0x0] =	wrdreg $0xFFFFFFFF;
	(pc) =	sbr.abs _section_cstart, $3  }
0xbf: {  	[dreg:$0x1] =	wrdreg $0xFFFFFFFF  }
0xc0: {  	_ =	task.clear_ibuf [dreg:s6], $0x2FFFF;
	_ =	strace $0x9FFFFFFF  }
0xc1: {  	(tm) =	ssettm $0x7FFFFFFF  }
tec
execute0_lowered:
.L_overlay_start_1:
0x0: {  	(tag) =	ssettag $0x1  }
0x1: {  	s4 =	rddreg [dreg:$0x0]  }
0x2: {  	s0 =	rddreg [dreg:$0x1]  }
0x3: {  	s3 =	srdreg.scid;
	s1 =	stileid.u32;
	s2 =	simm.s32 $0x0  }
0x4: {  	s12 =	simm.s32 $0x5000;
	s13 =	simm.s32 $0x1;
	s14 =	simm.s32 $0x2  }
0x5: {  	s15 =	simm.s32 $0xF80;
	s16 =	simm.s32 $0x0;
	s8 =	sand.u32 $0x1, s3  }
0x6: {  	s30 =	sshll.u32 s1, $0x1;
	[smem:$0x7FF] =	sst s2;
	s3 =	sadd.s32 $0xEA00, s4  }
0x7: {  	s9 =	sadd.s32 $0x2EA00, s4;
	s11 =	sshll.u32 s1, $0x11;
	s5 =	sor.u32 s8, s30  }
0x8: {  	_ =	strace $0x8000004A;
	s7 =	ssub.s32 $0x2, s8;
	s8 =	sshll.u32 s8, $0x10  }
0x9: {  	s6 =	sshll.u32 s5, $0x9;
	s31 =	sshrl.u32 s7, $0x1;
	s5 =	sshll.u32 s5, $0x10  }
0xa: {  	s6 =	sadd.s32 s6, s4;
	s7 =	ssub.s32 s7, s31;
	s10 =	sadd.s32 s9, s5  }
0xb: {  	s9 =	sadd.s32 s11, s9;
	s11 =	simm.s32 $0x1000;
	s4 =	sadd.s32 $0xA200, s6  }
0xc: {  	s5 =	smax.u32 s7, $0x1;
	s6 =	sadd.s32 $0xF000, s10;
	s7 =	sadd.s32 $0xF800, s10  }
0xd: {  	s8 =	sadd.s32 s8, s9;
	s9 =	simm.s32 $0x3;
	s10 =	simm.s32 $0x80  }
.LBB2_1:
0xe: {  	[tilespmem:s2], [sflag:$0x3] =	stream.linear.gather [hbm4b:s4+s2], $0x1000, $0x38;
	[tilespmem:$0x9000] =	vst v63  }
0xf: {  	_ =	swait.ge [sflag:s9], $0x1000  }
0x10: {  	[sflag:s9] =	ssyncset.done $0x0  }
0x11: {  	[sflag:s9] =	ssyncadd.s32 $0xFFFFF000  }
0x12: {  	[tilespmem:s11], [sflag:$0x1] =	stream.indirect.gather [hbm4b:s3+s10], $0x80, s2, s10, $0xb8;
	[tilespmem:$0x9000] =	vst v63  }
0x13: {  	s17 =	simm.s32 $0x80  }
0x14: {  	[tilespmem:s12], [sflag:$0x2] =	stream.indirect.gather [hbm4b:s3+s10], $0x80, s17, s10, $0xb8;
	[tilespmem:$0x9000] =	vst v63  }
0x15: {  	_ =	swait.ge [sflag:s13], $0x4000  }
0x16: {  	[sflag:s13] =	ssyncset.done $0x0  }
0x17: {  	s31 =	sadd.s32 $0x0, s8;
	[sflag:s13] =	ssyncadd.s32 $0xFFFFC000  }
0x18: {  	[hbm4b:s31+s2] =	stream.linear.scatter [tilespmem:s11], [sflag:$0x3], $0x4000, $0x38;
	[tilespmem:$0x9000] =	vst v63  }
0x19: {  	_ =	swait.ge [sflag:s9], $0x4000  }
0x1a: {  	[sflag:s9] =	ssyncset.done $0x0  }
0x1b: {  	s18 =	simm.s32 $0x100;
	[sflag:s9] =	ssyncadd.s32 $0xFFFFC000  }
0x1c: {  	[tilespmem:s11], [sflag:$0x1] =	stream.indirect.gather [hbm4b:s3+s10], $0x80, s18, s10, $0xb8;
	[tilespmem:$0x9000] =	vst v63  }
0x1d: {  	_ =	swait.ge [sflag:s14], $0x4000  }
0x1e: {  	[sflag:s14] =	ssyncset.done $0x0  }
0x1f: {  	s17 =	sadd.s32 $0x800, s31;
	[sflag:s14] =	ssyncadd.s32 $0xFFFFC000  }
0x20: {  	[hbm4b:s17+s2] =	stream.linear.scatter [tilespmem:s12], [sflag:$0x3], $0x4000, $0x38;
	[tilespmem:$0x9000] =	vst v63  }
0x21: {  	s19 =	simm.s32 $0x2000;
	_ =	swait.ge [sflag:s9], $0x4000  }
0x22: {  	s18 =	simm.s32 $0x1000;
	s17 =	simm.s32 $0x200;
	[sflag:s9] =	ssyncset.done $0x0  }
.LBB2_2:
0x23: {  	p0 =	sne.s32 s19, $0xE000;
	s20 =	sadd.s32 $0xFFFFFF80, s17;
	[sflag:s9] =	ssyncadd.s32 $0xFFFFC000  }
0x24: {  	[tilespmem:s12], [sflag:$0x2] =	stream.indirect.gather [hbm4b:s3+s10], $0x80, s20, s10, $0xb8;
	[tilespmem:$0x9000] =	vst v63  }
0x25: {  	s20 =	smov.u32 s19;
	s19 =	sadd.s32 $0x1000, s19;
	_ =	swait.ge [sflag:s13], $0x4000  }
0x26: {  	[sflag:s13] =	ssyncset.done $0x0  }
0x27: {  	s21 =	sadd.s32 s18, s8;
	s18 =	smov.u32 s20;
	[sflag:s13] =	ssyncadd.s32 $0xFFFFC000  }
0x28: {  	[hbm4b:s21+s2] =	stream.linear.scatter [tilespmem:s11], [sflag:$0x3], $0x4000, $0x38;
	[tilespmem:$0x9000] =	vst v63  }
0x29: {  	_ =	swait.ge [sflag:s9], $0x4000  }
0x2a: {  	[sflag:s9] =	ssyncset.done $0x0  }
0x2b: {  	[sflag:s9] =	ssyncadd.s32 $0xFFFFC000  }
0x2c: {  	[tilespmem:s11], [sflag:$0x1] =	stream.indirect.gather [hbm4b:s3+s10], $0x80, s17, s10, $0xb8;
	[tilespmem:$0x9000] =	vst v63  }
0x2d: {  	_ =	swait.ge [sflag:s14], $0x4000  }
.Ltmp0:
0x2e: {  	[sflag:s14] =	ssyncset.done $0x0;
	(pc) =	sbr.rel @p0 .LBB2_2-.Ltmp0, $4  }
0x2f: {  	s20 =	sadd.s32 $0x800, s21;
	[sflag:s14] =	ssyncadd.s32 $0xFFFFC000  }
0x30: {  	[hbm4b:s20+s2] =	stream.linear.scatter [tilespmem:s12], [sflag:$0x3], $0x4000, $0x38;
	[tilespmem:$0x9000] =	vst v63  }
0x31: {  	_ =	swait.ge [sflag:s9], $0x4000  }
0x32: {  	s17 =	sadd.s32 $0x100, s17;
	[sflag:s9] =	ssyncset.done $0x0  }
0x33: {  	s19 =	sadd.s32 $0xFFFFFF80, s17;
	[sflag:s9] =	ssyncadd.s32 $0xFFFFC000  }
0x34: {  	[tilespmem:s12], [sflag:$0x2] =	stream.indirect.gather [hbm4b:s3+s10], $0x80, s19, s10, $0xb8;
	[tilespmem:$0x9000] =	vst v63  }
0x35: {  	_ =	swait.ge [sflag:s13], $0x4000  }
0x36: {  	[sflag:s13] =	ssyncset.done $0x0  }
0x37: {  	s18 =	sadd.s32 s18, s8;
	[sflag:s13] =	ssyncadd.s32 $0xFFFFC000  }
0x38: {  	[hbm4b:s18+s2] =	stream.linear.scatter [tilespmem:s11], [sflag:$0x3], $0x4000, $0x38;
	[tilespmem:$0x9000] =	vst v63  }
0x39: {  	_ =	swait.ge [sflag:s9], $0x4000  }
0x3a: {  	[sflag:s9] =	ssyncset.done $0x0  }
0x3b: {  	[sflag:s9] =	ssyncadd.s32 $0xFFFFC000  }
0x3c: {  	[tilespmem:s11], [sflag:$0x1] =	stream.indirect.gather [hbm4b:s3+s10], $0x80, s17, s10, $0xb8;
	[tilespmem:$0x9000] =	vst v63  }
0x3d: {  	_ =	swait.ge [sflag:s14], $0x4000  }
0x3e: {  	[sflag:s14] =	ssyncset.done $0x0  }
0x3f: {  	s31 =	sadd.s32 $0x800, s18;
	[sflag:s14] =	ssyncadd.s32 $0xFFFFC000  }
0x40: {  	[hbm4b:s31+s2] =	stream.linear.scatter [tilespmem:s12], [sflag:$0x3], $0x4000, $0x38;
	[tilespmem:$0x9000] =	vst v63  }
0x41: {  	_ =	swait.ge [sflag:s9], $0x4000  }
0x42: {  	[sflag:s9] =	ssyncset.done $0x0  }
0x43: {  	[sflag:s9] =	ssyncadd.s32 $0xFFFFC000  }
0x44: {  	[tilespmem:s12], [sflag:$0x2] =	stream.indirect.gather [hbm4b:s3+s10], $0x80, s15, s10, $0xb8;
	[tilespmem:$0x9000] =	vst v63  }
0x45: {  	_ =	swait.ge [sflag:s13], $0x4000  }
0x46: {  	[sflag:s13] =	ssyncset.done $0x0  }
0x47: {  	[sflag:s13] =	ssyncadd.s32 $0xFFFFC000  }
0x48: {  	[hbm4b:s6+s2] =	stream.linear.scatter [tilespmem:s11], [sflag:$0x3], $0x4000, $0x38;
	[tilespmem:$0x9000] =	vst v63  }
0x49: {  	_ =	swait.ge [sflag:s9], $0x4000  }
0x4a: {  	[sflag:s9] =	ssyncset.done $0x0  }
0x4b: {  	[sflag:s9] =	ssyncadd.s32 $0xFFFFC000  }
0x4c: {  	s16 =	sadd.s32 $0x1, s16;
	_ =	swait.ge [sflag:s14], $0x4000  }
0x4d: {  	p0 =	sne.s32 s16, s5;
	[sflag:s14] =	ssyncset.done $0x0  }
.Ltmp1:
0x4e: {  	[sflag:s14] =	ssyncadd.s32 $0xFFFFC000;
	(pc) =	sbr.rel @p0 .LBB2_1-.Ltmp1, $4  }
0x4f: {  	[hbm4b:s7+s2] =	stream.linear.scatter [tilespmem:s12], [sflag:$0x3], $0x4000, $0x38;
	[tilespmem:$0x9000] =	vst v63  }
0x50: {  	_ =	swait.ge [sflag:s9], $0x4000  }
0x51: {  	[sflag:s9] =	ssyncset.done $0x0  }
0x52: {  	[sflag:s9] =	ssyncadd.s32 $0xFFFFC000  }
0x53: {  	_ =	sfence.sel $0x180000  }
0x54: {  	[bflag:$0x0] =	sbarrier.arrive $0xFFFF  }
0x55: {  	p0 =	sne.s32 s1, $0x0;
	_ =	strace $0x9000004A  }
0x56: {  	s0 =	sadd.s32 @!p0 $0x100000, s0;
	[bflag:$0x2] =	sbarrier.arrive $0xFFFF  }
0x57: {  	[sflag:s0] =	ssyncadd.tile.s32 @!p0 $0x1;
	_ =	shalt  }
.Lfunc_end2:
_tile_overlayer_lowered:
.L_overlay_start_2:
0x58: {  	(tag) =	ssettag $0x2  }
0x59: {  	s0 =	rddreg [dreg:$0x0];
	s2 =	stileid.u32  }
0x5a: {  	s1 =	rddreg [dreg:$0x1];
	p0 =	sne.s32 s2, $0x0  }
0x5b: {  	s3 =	rddreg [dreg:$0x2];
	[bflag:$0x3] =	sbarrier.arrive $0xFFFF;
	s2 =	simm.s32 @!p0 $0x1C03  }
0x5c: {  	[timem:s3], [sflag:s2] =	dma.local @!p0 [hbm:s0], s1  }
0x5d: {  	s0 =	simm.s32 @!p0 $0x3  }
0x5e: {  	_ =	swait.ge @!p0 [sflag:s0], s1  }
0x5f: {  	s1 =	ssub.s32 @!p0 $0x0, s1;
	[sflag:s0] =	ssyncset.done @!p0 $0x0  }
0x60: {  	[sflag:s0] =	ssyncadd.s32 @!p0 s1  }
0x61: {  	[bflag:$0x3] =	sbarrier.arrive $0xFFFF  }
0x62: {  	_ =	shalt  }

</sc_bundles>
